<compile_context>
chip_gen: v7x
topology: tpu7x:2x2x1
jax: 0.10.2.dev20260603
libtpu: 0.0.44.dev20260713+nightly
codegen_flags: <defaults>
</compile_context>

<pallas_src>
import functools

import jax
import jax.numpy as jnp
from jax import lax
from jax.experimental import pallas as pl
from jax.experimental.pallas import tpu as pltpu
from jax.experimental.pallas import tpu_sc as plsc

E = 320000
D = 128
V_SEG = 10000
NC = 2
NS = 16
NW = NC * NS
RW = E // NW
BL = 80
NBL = RW // BL
NBUF = 4
VCHUNK = 1000
NVT = V_SEG // VCHUNK


def _sc_partial_segment_sum(H, ids3, zrows):
    mesh = plsc.VectorSubcoreMesh(
        core_axis_name="c", subcore_axis_name="s",
        num_cores=NC, num_subcores=NS)

    @functools.partial(
        pl.kernel,
        out_type=jax.ShapeDtypeStruct((NC, V_SEG, D), jnp.float32),
        mesh=mesh,
        scratch_types=[
            pltpu.VMEM((NBUF, BL, D), jnp.float32),
            pltpu.VMEM((NBUF, 1, BL), jnp.int32),
            pltpu.VMEM_SHARED((V_SEG, D), jnp.float32),
            [pltpu.SemaphoreType.DMA] * NBUF,
            [pltpu.SemaphoreType.DMA] * NBUF,
        ],
    )
    def k(h_hbm, ids_hbm, z_hbm, out_hbm, rows_v, ids_v, acc, lsems, ssems):
        c = lax.axis_index("c")
        s = lax.axis_index("s")
        wid = c * NS + s
        row_base = wid * RW
        vbase = s * VCHUNK

        def load_descs(blk, b):
            rows = pltpu.make_async_copy(
                h_hbm.at[pl.ds(row_base + blk * BL, BL), :],
                rows_v.at[b], lsems[b])
            ids = pltpu.make_async_copy(
                ids_hbm.at[wid, pl.ds(blk, 1), :], ids_v.at[b], lsems[b])
            return rows, ids

        def start_load(blk, b):
            for d in load_descs(blk, b):
                d.start()

        def wait_load(blk, b):
            for d in load_descs(blk, b):
                d.wait()

        def scatter_desc(b):
            return pltpu.make_async_copy(
                rows_v.at[b], acc.at[ids_v.at[b, 0]], ssems[b])

        for b in range(NBUF - 1):
            start_load(b, b)

        @pl.when(s < NVT)
        def _zero():
            pltpu.sync_copy(z_hbm.at[pl.ds(vbase, VCHUNK), :],
                            acc.at[pl.ds(vbase, VCHUNK), :])

        plsc.subcore_barrier()

        @pl.loop(0, NBL - 1, step=NBUF)
        def _ring(j):
            for b in range(NBUF):
                blk = j + b
                wait_load(blk, b)
                scatter_desc(b).start(add=True)
                nb = (b + NBUF - 1) % NBUF

                @pl.when(blk >= 1)
                def _drain():
                    scatter_desc(nb).wait()

                @pl.when(blk + NBUF - 1 < NBL)
                def _refill():
                    start_load(blk + NBUF - 1, nb)

        last = NBL - 1
        lb = last % NBUF
        wait_load(last, lb)
        scatter_desc(lb).start(add=True)
        scatter_desc((lb + NBUF - 1) % NBUF).wait()
        scatter_desc(lb).wait()
        plsc.subcore_barrier()

        @pl.when(s < NVT)
        def _write():
            pltpu.sync_copy(acc.at[pl.ds(vbase, VCHUNK), :],
                            out_hbm.at[c, pl.ds(vbase, VCHUNK), :])

    return k(H, ids3, zrows)


def _merge_partials(parts):
    BS = 1000

    def body(p_ref, o_ref):
        o_ref[...] = p_ref[0] + p_ref[1]

    return pl.pallas_call(
        body,
        grid=(V_SEG // BS,),
        in_specs=[pl.BlockSpec((NC, BS, D), lambda i: (0, i, 0))],
        out_specs=pl.BlockSpec((BS, D), lambda i: (i, 0)),
        out_shape=jax.ShapeDtypeStruct((V_SEG, D), jnp.float32),
    )(parts)


def kernel(H, X_neis, V):
    del V
    ids3 = X_neis.astype(jnp.int32).reshape(NW, NBL, BL)
    zrows = jnp.zeros((V_SEG, D), jnp.float32)
    parts = _sc_partial_segment_sum(H, ids3, zrows)
    return _merge_partials(parts)

# --- scband reference (transcript-rebuilt; emitter-appended) ---
"""Pipeline reference for scband-aggr-sum-59322088292862 (READ-ONLY COPY).

The authoritative reference and input builder live on the scoring server;
editing this copy changes nothing except your own understanding.
"""

import jax, jax.numpy as jnp
import numpy as np

E = 320000
D = 128
V_SEGMENTS = 10000

def setup_inputs(seed: int = 0) -> dict:
    key = jax.random.key(seed)
    k1, k2 = jax.random.split(key)
    H = jax.random.normal(k1, (E, D), dtype=jnp.float32)
    X_neis = jnp.sort(jax.random.randint(k2, (E,), 0, V_SEGMENTS, dtype=jnp.int32)).astype(jnp.int64)
    return {"H": H, "X_neis": X_neis, "V": V_SEGMENTS}

def reference(H, X_neis, V):
    # Original torch code builds a one-hot mask [V, E] where mask[v, e] = (X_neis[e] == v)
    # and computes mask @ H. This is mathematically exactly a segment-sum of rows of H
    # grouped by segment ids X_neis into V output rows.
    out = jax.ops.segment_sum(H, X_neis, num_segments=V_SEGMENTS)
    row_valid = (jnp.arange(V_SEGMENTS) < V)[:, None]
    return jnp.where(row_valid, out, jnp.zeros((), dtype=out.dtype))

if __name__ == "__main__":
    import jax
    _d = setup_inputs()
    print(jax.jit(kernel)(*tuple(_d.values())))

</pallas_src>

<mosaic_0001>
#map = affine_map<(d0, d1) -> (0, 0)>
#map1 = affine_map<(d0, d1) -> (0, 0, 0)>
module attributes {stable_mosaic.version = 14 : i64} {
  func.func @k(%arg0: i32, %arg1: i32, %arg2: memref<320000x128xf32, #tpu.memory_space<hbm>>, %arg3: memref<32x125x80xi32, #tpu.memory_space<hbm>>, %arg4: memref<10000x128xf32, #tpu.memory_space<hbm>>, %arg5: memref<2x10000x128xf32, #tpu.memory_space<hbm>>, %arg6: memref<4x80x128xf32, #tpu.memory_space<vmem>>, %arg7: memref<4x1x80xi32, #tpu.memory_space<vmem>>, %arg8: memref<10000x128xf32, #tpu.memory_space<vmem_shared>>, %arg9: memref<!tpu.dma_semaphore, #tpu.memory_space<semaphore_mem>>, %arg10: memref<!tpu.dma_semaphore, #tpu.memory_space<semaphore_mem>>, %arg11: memref<!tpu.dma_semaphore, #tpu.memory_space<semaphore_mem>>, %arg12: memref<!tpu.dma_semaphore, #tpu.memory_space<semaphore_mem>>, %arg13: memref<!tpu.dma_semaphore, #tpu.memory_space<semaphore_mem>>, %arg14: memref<!tpu.dma_semaphore, #tpu.memory_space<semaphore_mem>>, %arg15: memref<!tpu.dma_semaphore, #tpu.memory_space<semaphore_mem>>, %arg16: memref<!tpu.dma_semaphore, #tpu.memory_space<semaphore_mem>>) attributes {dimension_semantics = [#tpu.dimension_semantics<core_parallel>, #tpu.dimension_semantics<subcore_parallel>], iteration_bounds = array<i64: 2, 16>, scalar_prefetch = 0 : i64, scratch_operands = 11 : i64, tpu.core_type = #tpu.core_type<sc_vector_subcore>, window_params = [{transform_indices = #map}, {transform_indices = #map1}, {transform_indices = #map}, {transform_indices = #map1}]} {
    %mul3A = arith.constant 16 : i32
    %mul3A_0 = arith.muli %arg0, %mul3A : i32
    %add3A = arith.addi %mul3A_0, %arg1 : i32
    %mul3A_1 = arith.constant 10000 : i32
    %mul3A_2 = arith.muli %add3A, %mul3A_1 : i32
    %mul3A_3 = arith.constant 1000 : i32
    %mul3A_4 = arith.muli %arg1, %mul3A_3 : i32
    %add3A_5 = arith.constant 0 : i32
    %add3A_6 = arith.addi %mul3A_2, %add3A_5 : i32
    %dma_start3A = arith.constant 0 : i32
    %dma_start3A_7 = arith.constant 0 : i32
    %dma_start3A_8 = arith.constant 0 : i32
    %dma_start3A_9 = tpu.memref_slice %arg6[%dma_start3A, %dma_start3A_7, %dma_start3A_8] : memref<4x80x128xf32, #tpu.memory_space<vmem>> -> memref<1x80x128xf32, #tpu.memory_space<vmem>>
    %dma_start3A_10 = tpu.memref_squeeze %dma_start3A_9 : memref<1x80x128xf32, #tpu.memory_space<vmem>> -> memref<80x128xf32, #tpu.memory_space<vmem>>
    %dma_start3A_11 = arith.constant 0 : i32
    %dma_start3A_12 = tpu.memref_slice %arg2[%add3A_6, %dma_start3A_11] : memref<320000x128xf32, #tpu.memory_space<hbm>> -> memref<80x128xf32, #tpu.memory_space<hbm>>
    %dma_start3A_13 = arith.constant 0 : i32
    %dma_start3A_14 = arith.constant 0 : i32
    %dma_start3A_15 = tpu.memref_slice %arg6[%dma_start3A, %dma_start3A_13, %dma_start3A_14] : memref<4x80x128xf32, #tpu.memory_space<vmem>> -> memref<1x80x128xf32, #tpu.memory_space<vmem>>
    %dma_start3A_16 = tpu.memref_squeeze %dma_start3A_15 : memref<1x80x128xf32, #tpu.memory_space<vmem>> -> memref<80x128xf32, #tpu.memory_space<vmem>>
    %dma_start3A_17 = arith.constant 0 : i32
    %dma_start3A_18 = tpu.memref_slice %arg2[%add3A_6, %dma_start3A_17] : memref<320000x128xf32, #tpu.memory_space<hbm>> -> memref<80x128xf32, #tpu.memory_space<hbm>>
    tpu.enqueue_dma source(%dma_start3A_18 : memref<80x128xf32, #tpu.memory_space<hbm>>) target(%dma_start3A_16 : memref<80x128xf32, #tpu.memory_space<vmem>>) target_semaphore(%arg9 : memref<!tpu.dma_semaphore, #tpu.memory_space<semaphore_mem>>)
    %dma_start3A_19 = arith.constant 0 : i32
    %dma_start3A_20 = arith.constant 0 : i32
    %dma_start3A_21 = arith.constant 0 : i32
    %dma_start3A_22 = tpu.memref_slice %arg7[%dma_start3A_19, %dma_start3A_20, %dma_start3A_21] : memref<4x1x80xi32, #tpu.memory_space<vmem>> -> memref<1x1x80xi32, #tpu.memory_space<vmem>>
    %dma_start3A_23 = tpu.memref_squeeze %dma_start3A_22 : memref<1x1x80xi32, #tpu.memory_space<vmem>> -> memref<1x80xi32, #tpu.memory_space<vmem>>
    %dma_start3A_24 = arith.constant 0 : i32
    %dma_start3A_25 = arith.constant 0 : i32
    %dma_start3A_26 = tpu.memref_slice %arg3[%add3A, %dma_start3A_24, %dma_start3A_25] : memref<32x125x80xi32, #tpu.memory_space<hbm>> -> memref<1x1x80xi32, #tpu.memory_space<hbm>>
    %dma_start3A_27 = tpu.memref_squeeze %dma_start3A_26 : memref<1x1x80xi32, #tpu.memory_space<hbm>> -> memref<1x80xi32, #tpu.memory_space<hbm>>
    %dma_start3A_28 = arith.constant 0 : i32
    %dma_start3A_29 = arith.constant 0 : i32
    %dma_start3A_30 = tpu.memref_slice %arg7[%dma_start3A_19, %dma_start3A_28, %dma_start3A_29] : memref<4x1x80xi32, #tpu.memory_space<vmem>> -> memref<1x1x80xi32, #tpu.memory_space<vmem>>
    %dma_start3A_31 = tpu.memref_squeeze %dma_start3A_30 : memref<1x1x80xi32, #tpu.memory_space<vmem>> -> memref<1x80xi32, #tpu.memory_space<vmem>>
    %dma_start3A_32 = arith.constant 0 : i32
    %dma_start3A_33 = arith.constant 0 : i32
    %dma_start3A_34 = tpu.memref_slice %arg3[%add3A, %dma_start3A_32, %dma_start3A_33] : memref<32x125x80xi32, #tpu.memory_space<hbm>> -> memref<1x1x80xi32, #tpu.memory_space<hbm>>
    %dma_start3A_35 = tpu.memref_squeeze %dma_start3A_34 : memref<1x1x80xi32, #tpu.memory_space<hbm>> -> memref<1x80xi32, #tpu.memory_space<hbm>>
    tpu.enqueue_dma source(%dma_start3A_35 : memref<1x80xi32, #tpu.memory_space<hbm>>) target(%dma_start3A_31 : memref<1x80xi32, #tpu.memory_space<vmem>>) target_semaphore(%arg9 : memref<!tpu.dma_semaphore, #tpu.memory_space<semaphore_mem>>)
    %add3A_36 = arith.constant 80 : i32
    %add3A_37 = arith.addi %mul3A_2, %add3A_36 : i32
    %dma_start3A_38 = arith.constant 1 : i32
    %dma_start3A_39 = arith.constant 0 : i32
    %dma_start3A_40 = arith.constant 0 : i32
    %dma_start3A_41 = tpu.memref_slice %arg6[%dma_start3A_38, %dma_start3A_39, %dma_start3A_40] : memref<4x80x128xf32, #tpu.memory_space<vmem>> -> memref<1x80x128xf32, #tpu.memory_space<vmem>>
    %dma_start3A_42 = tpu.memref_squeeze %dma_start3A_41 : memref<1x80x128xf32, #tpu.memory_space<vmem>> -> memref<80x128xf32, #tpu.memory_space<vmem>>
    %dma_start3A_43 = arith.constant 0 : i32
    %dma_start3A_44 = tpu.memref_slice %arg2[%add3A_37, %dma_start3A_43] : memref<320000x128xf32, #tpu.memory_space<hbm>> -> memref<80x128xf32, #tpu.memory_space<hbm>>
    %dma_start3A_45 = arith.constant 0 : i32
    %dma_start3A_46 = arith.constant 0 : i32
    %dma_start3A_47 = tpu.memref_slice %arg6[%dma_start3A_38, %dma_start3A_45, %dma_start3A_46] : memref<4x80x128xf32, #tpu.memory_space<vmem>> -> memref<1x80x128xf32, #tpu.memory_space<vmem>>
    %dma_start3A_48 = tpu.memref_squeeze %dma_start3A_47 : memref<1x80x128xf32, #tpu.memory_space<vmem>> -> memref<80x128xf32, #tpu.memory_space<vmem>>
    %dma_start3A_49 = arith.constant 0 : i32
    %dma_start3A_50 = tpu.memref_slice %arg2[%add3A_37, %dma_start3A_49] : memref<320000x128xf32, #tpu.memory_space<hbm>> -> memref<80x128xf32, #tpu.memory_space<hbm>>
    tpu.enqueue_dma source(%dma_start3A_50 : memref<80x128xf32, #tpu.memory_space<hbm>>) target(%dma_start3A_48 : memref<80x128xf32, #tpu.memory_space<vmem>>) target_semaphore(%arg10 : memref<!tpu.dma_semaphore, #tpu.memory_space<semaphore_mem>>)
    %dma_start3A_51 = arith.constant 1 : i32
    %dma_start3A_52 = arith.constant 0 : i32
    %dma_start3A_53 = arith.constant 0 : i32
    %dma_start3A_54 = tpu.memref_slice %arg7[%dma_start3A_51, %dma_start3A_52, %dma_start3A_53] : memref<4x1x80xi32, #tpu.memory_space<vmem>> -> memref<1x1x80xi32, #tpu.memory_space<vmem>>
    %dma_start3A_55 = tpu.memref_squeeze %dma_start3A_54 : memref<1x1x80xi32, #tpu.memory_space<vmem>> -> memref<1x80xi32, #tpu.memory_space<vmem>>
    %dma_start3A_56 = arith.constant 1 : i32
    %dma_start3A_57 = arith.constant 0 : i32
    %dma_start3A_58 = tpu.memref_slice %arg3[%add3A, %dma_start3A_56, %dma_start3A_57] : memref<32x125x80xi32, #tpu.memory_space<hbm>> -> memref<1x1x80xi32, #tpu.memory_space<hbm>>
    %dma_start3A_59 = tpu.memref_squeeze %dma_start3A_58 : memref<1x1x80xi32, #tpu.memory_space<hbm>> -> memref<1x80xi32, #tpu.memory_space<hbm>>
    %dma_start3A_60 = arith.constant 0 : i32
    %dma_start3A_61 = arith.constant 0 : i32
    %dma_start3A_62 = tpu.memref_slice %arg7[%dma_start3A_51, %dma_start3A_60, %dma_start3A_61] : memref<4x1x80xi32, #tpu.memory_space<vmem>> -> memref<1x1x80xi32, #tpu.memory_space<vmem>>
    %dma_start3A_63 = tpu.memref_squeeze %dma_start3A_62 : memref<1x1x80xi32, #tpu.memory_space<vmem>> -> memref<1x80xi32, #tpu.memory_space<vmem>>
    %dma_start3A_64 = arith.constant 1 : i32
    %dma_start3A_65 = arith.constant 0 : i32
    %dma_start3A_66 = tpu.memref_slice %arg3[%add3A, %dma_start3A_64, %dma_start3A_65] : memref<32x125x80xi32, #tpu.memory_space<hbm>> -> memref<1x1x80xi32, #tpu.memory_space<hbm>>
    %dma_start3A_67 = tpu.memref_squeeze %dma_start3A_66 : memref<1x1x80xi32, #tpu.memory_space<hbm>> -> memref<1x80xi32, #tpu.memory_space<hbm>>
    tpu.enqueue_dma source(%dma_start3A_67 : memref<1x80xi32, #tpu.memory_space<hbm>>) target(%dma_start3A_63 : memref<1x80xi32, #tpu.memory_space<vmem>>) target_semaphore(%arg10 : memref<!tpu.dma_semaphore, #tpu.memory_space<semaphore_mem>>)
    %add3A_68 = arith.constant 160 : i32
    %add3A_69 = arith.addi %mul3A_2, %add3A_68 : i32
    %dma_start3A_70 = arith.constant 2 : i32
    %dma_start3A_71 = arith.constant 0 : i32
    %dma_start3A_72 = arith.constant 0 : i32
    %dma_start3A_73 = tpu.memref_slice %arg6[%dma_start3A_70, %dma_start3A_71, %dma_start3A_72] : memref<4x80x128xf32, #tpu.memory_space<vmem>> -> memref<1x80x128xf32, #tpu.memory_space<vmem>>
    %dma_start3A_74 = tpu.memref_squeeze %dma_start3A_73 : memref<1x80x128xf32, #tpu.memory_space<vmem>> -> memref<80x128xf32, #tpu.memory_space<vmem>>
    %dma_start3A_75 = arith.constant 0 : i32
    %dma_start3A_76 = tpu.memref_slice %arg2[%add3A_69, %dma_start3A_75] : memref<320000x128xf32, #tpu.memory_space<hbm>> -> memref<80x128xf32, #tpu.memory_space<hbm>>
    %dma_start3A_77 = arith.constant 0 : i32
    %dma_start3A_78 = arith.constant 0 : i32
    %dma_start3A_79 = tpu.memref_slice %arg6[%dma_start3A_70, %dma_start3A_77, %dma_start3A_78] : memref<4x80x128xf32, #tpu.memory_space<vmem>> -> memref<1x80x128xf32, #tpu.memory_space<vmem>>
    %dma_start3A_80 = tpu.memref_squeeze %dma_start3A_79 : memref<1x80x128xf32, #tpu.memory_space<vmem>> -> memref<80x128xf32, #tpu.memory_space<vmem>>
    %dma_start3A_81 = arith.constant 0 : i32
    %dma_start3A_82 = tpu.memref_slice %arg2[%add3A_69, %dma_start3A_81] : memref<320000x128xf32, #tpu.memory_space<hbm>> -> memref<80x128xf32, #tpu.memory_space<hbm>>
    tpu.enqueue_dma source(%dma_start3A_82 : memref<80x128xf32, #tpu.memory_space<hbm>>) target(%dma_start3A_80 : memref<80x128xf32, #tpu.memory_space<vmem>>) target_semaphore(%arg11 : memref<!tpu.dma_semaphore, #tpu.memory_space<semaphore_mem>>)
    %dma_start3A_83 = arith.constant 2 : i32
    %dma_start3A_84 = arith.constant 0 : i32
    %dma_start3A_85 = arith.constant 0 : i32
    %dma_start3A_86 = tpu.memref_slice %arg7[%dma_start3A_83, %dma_start3A_84, %dma_start3A_85] : memref<4x1x80xi32, #tpu.memory_space<vmem>> -> memref<1x1x80xi32, #tpu.memory_space<vmem>>
    %dma_start3A_87 = tpu.memref_squeeze %dma_start3A_86 : memref<1x1x80xi32, #tpu.memory_space<vmem>> -> memref<1x80xi32, #tpu.memory_space<vmem>>
    %dma_start3A_88 = arith.constant 2 : i32
    %dma_start3A_89 = arith.constant 0 : i32
    %dma_start3A_90 = tpu.memref_slice %arg3[%add3A, %dma_start3A_88, %dma_start3A_89] : memref<32x125x80xi32, #tpu.memory_space<hbm>> -> memref<1x1x80xi32, #tpu.memory_space<hbm>>
    %dma_start3A_91 = tpu.memref_squeeze %dma_start3A_90 : memref<1x1x80xi32, #tpu.memory_space<hbm>> -> memref<1x80xi32, #tpu.memory_space<hbm>>
    %dma_start3A_92 = arith.constant 0 : i32
    %dma_start3A_93 = arith.constant 0 : i32
    %dma_start3A_94 = tpu.memref_slice %arg7[%dma_start3A_83, %dma_start3A_92, %dma_start3A_93] : memref<4x1x80xi32, #tpu.memory_space<vmem>> -> memref<1x1x80xi32, #tpu.memory_space<vmem>>
    %dma_start3A_95 = tpu.memref_squeeze %dma_start3A_94 : memref<1x1x80xi32, #tpu.memory_space<vmem>> -> memref<1x80xi32, #tpu.memory_space<vmem>>
    %dma_start3A_96 = arith.constant 2 : i32
    %dma_start3A_97 = arith.constant 0 : i32
    %dma_start3A_98 = tpu.memref_slice %arg3[%add3A, %dma_start3A_96, %dma_start3A_97] : memref<32x125x80xi32, #tpu.memory_space<hbm>> -> memref<1x1x80xi32, #tpu.memory_space<hbm>>
    %dma_start3A_99 = tpu.memref_squeeze %dma_start3A_98 : memref<1x1x80xi32, #tpu.memory_space<hbm>> -> memref<1x80xi32, #tpu.memory_space<hbm>>
    tpu.enqueue_dma source(%dma_start3A_99 : memref<1x80xi32, #tpu.memory_space<hbm>>) target(%dma_start3A_95 : memref<1x80xi32, #tpu.memory_space<vmem>>) target_semaphore(%arg11 : memref<!tpu.dma_semaphore, #tpu.memory_space<semaphore_mem>>)
    %lt3A = arith.constant 10 : i32
    %lt3A_100 = arith.cmpi slt, %arg1, %lt3A : i32
    %convert_element_type3A = arith.extui %lt3A_100 : i1 to i32
    %cond3A = arith.constant 0 : i32
    %cond3A_101 = arith.cmpi ne, %convert_element_type3A, %cond3A : i32
    scf.if %cond3A_101 {
      "tpu.region"() ({
        %run_scoped3A = tpu.sem_alloc : memref<!tpu.dma_semaphore, #tpu.memory_space<semaphore_mem>>
        %dma_start3A_182 = arith.constant 0 : i32
        %dma_start3A_183 = tpu.memref_slice %arg8[%mul3A_4, %dma_start3A_182] : memref<10000x128xf32, #tpu.memory_space<vmem_shared>> -> memref<1000x128xf32, #tpu.memory_space<vmem_shared>>
        %dma_start3A_184 = arith.constant 0 : i32
        %dma_start3A_185 = tpu.memref_slice %arg4[%mul3A_4, %dma_start3A_184] : memref<10000x128xf32, #tpu.memory_space<hbm>> -> memref<1000x128xf32, #tpu.memory_space<hbm>>
        tpu.enqueue_dma source(%dma_start3A_185 : memref<1000x128xf32, #tpu.memory_space<hbm>>) target(%dma_start3A_183 : memref<1000x128xf32, #tpu.memory_space<vmem_shared>>) target_semaphore(%run_scoped3A : memref<!tpu.dma_semaphore, #tpu.memory_space<semaphore_mem>>)
        %dma_wait3A_186 = arith.constant 0 : i32
        %dma_wait3A_187 = tpu.memref_slice %arg8[%mul3A_4, %dma_wait3A_186] : memref<10000x128xf32, #tpu.memory_space<vmem_shared>> -> memref<1000x128xf32, #tpu.memory_space<vmem_shared>>
        %dma_wait3A_188 = arith.constant 0 : i32
        %dma_wait3A_189 = tpu.memref_slice %arg4[%mul3A_4, %dma_wait3A_188] : memref<10000x128xf32, #tpu.memory_space<hbm>> -> memref<1000x128xf32, #tpu.memory_space<hbm>>
        tpu.wait_dma2 semaphore(%run_scoped3A : memref<!tpu.dma_semaphore, #tpu.memory_space<semaphore_mem>>) src(%dma_wait3A_189 : memref<1000x128xf32, #tpu.memory_space<hbm>>) dst(%dma_wait3A_187 : memref<1000x128xf32, #tpu.memory_space<vmem_shared>>)
        tpu.yield
      }) : () -> ()
    } else {
    }
    %barrier3A = arith.constant 0 : index
    tpu.barrier barrier_id(%barrier3A)
    %scan3A = arith.constant 0 : i32
    %scan3A_102 = arith.constant 31 : i32
    %scan3A_103 = arith.addi %scan3A, %scan3A_102 : i32
    %scan3A_104 = arith.constant 1 : i32
    scf.for %scan3A_182 = %scan3A to %scan3A_103 step %scan3A_104  : i32 {
      %mul3A_183 = arith.constant 4 : i32
      %mul3A_184 = arith.muli %scan3A_182, %mul3A_183 : i32
      %add3A_185 = arith.constant 0 : i32
      %add3A_186 = arith.addi %add3A_185, %mul3A_184 : i32
      %add3A_187 = arith.constant 0 : i32
      %add3A_188 = arith.addi %add3A_186, %add3A_187 : i32
      %mul3A_189 = arith.constant 80 : i32
      %mul3A_190 = arith.muli %add3A_188, %mul3A_189 : i32
      %add3A_191 = arith.addi %mul3A_2, %mul3A_190 : i32
      %dma_wait3A_192 = arith.constant 0 : i32
      %dma_wait3A_193 = arith.constant 0 : i32
      %dma_wait3A_194 = arith.constant 0 : i32
      %dma_wait3A_195 = tpu.memref_slice %arg6[%dma_wait3A_192, %dma_wait3A_193, %dma_wait3A_194] : memref<4x80x128xf32, #tpu.memory_space<vmem>> -> memref<1x80x128xf32, #tpu.memory_space<vmem>>
      %dma_wait3A_196 = tpu.memref_squeeze %dma_wait3A_195 : memref<1x80x128xf32, #tpu.memory_space<vmem>> -> memref<80x128xf32, #tpu.memory_space<vmem>>
      %dma_wait3A_197 = arith.constant 0 : i32
      %dma_wait3A_198 = tpu.memref_slice %arg2[%add3A_191, %dma_wait3A_197] : memref<320000x128xf32, #tpu.memory_space<hbm>> -> memref<80x128xf32, #tpu.memory_space<hbm>>
      %dma_wait3A_199 = arith.constant 0 : i32
      %dma_wait3A_200 = arith.constant 0 : i32
      %dma_wait3A_201 = tpu.memref_slice %arg6[%dma_wait3A_192, %dma_wait3A_199, %dma_wait3A_200] : memref<4x80x128xf32, #tpu.memory_space<vmem>> -> memref<1x80x128xf32, #tpu.memory_space<vmem>>
      %dma_wait3A_202 = tpu.memref_squeeze %dma_wait3A_201 : memref<1x80x128xf32, #tpu.memory_space<vmem>> -> memref<80x128xf32, #tpu.memory_space<vmem>>
      %dma_wait3A_203 = arith.constant 0 : i32
      %dma_wait3A_204 = tpu.memref_slice %arg2[%add3A_191, %dma_wait3A_203] : memref<320000x128xf32, #tpu.memory_space<hbm>> -> memref<80x128xf32, #tpu.memory_space<hbm>>
      tpu.wait_dma2 semaphore(%arg9 : memref<!tpu.dma_semaphore, #tpu.memory_space<semaphore_mem>>) src(%dma_wait3A_204 : memref<80x128xf32, #tpu.memory_space<hbm>>) dst(%dma_wait3A_202 : memref<80x128xf32, #tpu.memory_space<vmem>>)
      %dma_wait3A_205 = arith.constant 0 : i32
      %dma_wait3A_206 = arith.constant 0 : i32
      %dma_wait3A_207 = arith.constant 0 : i32
      %dma_wait3A_208 = tpu.memref_slice %arg7[%dma_wait3A_205, %dma_wait3A_206, %dma_wait3A_207] : memref<4x1x80xi32, #tpu.memory_space<vmem>> -> memref<1x1x80xi32, #tpu.memory_space<vmem>>
      %dma_wait3A_209 = tpu.memref_squeeze %dma_wait3A_208 : memref<1x1x80xi32, #tpu.memory_space<vmem>> -> memref<1x80xi32, #tpu.memory_space<vmem>>
      %dma_wait3A_210 = arith.constant 0 : i32
      %dma_wait3A_211 = tpu.memref_slice %arg3[%add3A, %add3A_188, %dma_wait3A_210] : memref<32x125x80xi32, #tpu.memory_space<hbm>> -> memref<1x1x80xi32, #tpu.memory_space<hbm>>
      %dma_wait3A_212 = tpu.memref_squeeze %dma_wait3A_211 : memref<1x1x80xi32, #tpu.memory_space<hbm>> -> memref<1x80xi32, #tpu.memory_space<hbm>>
      %dma_wait3A_213 = arith.constant 0 : i32
      %dma_wait3A_214 = arith.constant 0 : i32
      %dma_wait3A_215 = tpu.memref_slice %arg7[%dma_wait3A_205, %dma_wait3A_213, %dma_wait3A_214] : memref<4x1x80xi32, #tpu.memory_space<vmem>> -> memref<1x1x80xi32, #tpu.memory_space<vmem>>
      %dma_wait3A_216 = tpu.memref_squeeze %dma_wait3A_215 : memref<1x1x80xi32, #tpu.memory_space<vmem>> -> memref<1x80xi32, #tpu.memory_space<vmem>>
      %dma_wait3A_217 = arith.constant 0 : i32
      %dma_wait3A_218 = tpu.memref_slice %arg3[%add3A, %add3A_188, %dma_wait3A_217] : memref<32x125x80xi32, #tpu.memory_space<hbm>> -> memref<1x1x80xi32, #tpu.memory_space<hbm>>
      %dma_wait3A_219 = tpu.memref_squeeze %dma_wait3A_218 : memref<1x1x80xi32, #tpu.memory_space<hbm>> -> memref<1x80xi32, #tpu.memory_space<hbm>>
      tpu.wait_dma2 semaphore(%arg9 : memref<!tpu.dma_semaphore, #tpu.memory_space<semaphore_mem>>) src(%dma_wait3A_219 : memref<1x80xi32, #tpu.memory_space<hbm>>) dst(%dma_wait3A_216 : memref<1x80xi32, #tpu.memory_space<vmem>>)
      %dma_start3A_220 = arith.constant 0 : i32
      %dma_start3A_221 = arith.constant 0 : i32
      %dma_start3A_222 = arith.constant 0 : i32
      %dma_start3A_223 = arith.constant 0 : i32
      %dma_start3A_224 = arith.constant 0 : i32
      %dma_start3A_225 = tpu.memref_slice %arg6[%dma_start3A_220, %dma_start3A_223, %dma_start3A_224] : memref<4x80x128xf32, #tpu.memory_space<vmem>> -> memref<1x80x128xf32, #tpu.memory_space<vmem>>
      %dma_start3A_226 = tpu.memref_squeeze %dma_start3A_225 : memref<1x80x128xf32, #tpu.memory_space<vmem>> -> memref<80x128xf32, #tpu.memory_space<vmem>>
      %dma_start3A_227 = arith.constant 0 : i32
      %dma_start3A_228 = tpu.memref_slice %arg7[%dma_start3A_221, %dma_start3A_222, %dma_start3A_227] : memref<4x1x80xi32, #tpu.memory_space<vmem>> -> memref<1x1x80xi32, #tpu.memory_space<vmem>>
      %dma_start3A_229 = tpu.memref_squeeze %dma_start3A_228 : memref<1x1x80xi32, #tpu.memory_space<vmem>> -> memref<80xi32, #tpu.memory_space<vmem>>
      %dma_start3A_230 = arith.constant 0 : i32
      %dma_start3A_231 = arith.constant 0 : i32
      %dma_start3A_232 = tpu.memref_slice %arg8[%dma_start3A_230, %dma_start3A_231] : memref<10000x128xf32, #tpu.memory_space<vmem_shared>> -> memref<10000x128xf32, #tpu.memory_space<vmem_shared>>
      tpu.enqueue_indirect_dma source(%dma_start3A_226 : memref<80x128xf32, #tpu.memory_space<vmem>>) target(%dma_start3A_232 : memref<10000x128xf32, #tpu.memory_space<vmem_shared>>) offsets(%dma_start3A_229 : memref<80xi32, #tpu.memory_space<vmem>>) semaphore(%arg13 : memref<!tpu.dma_semaphore, #tpu.memory_space<semaphore_mem>>) {add = true}
      %ge3A = arith.constant 1 : i32
      %ge3A_233 = arith.cmpi sge, %add3A_188, %ge3A : i32
      %convert_element_type3A_234 = arith.extui %ge3A_233 : i1 to i32
      %cond3A_235 = arith.constant 0 : i32
      %cond3A_236 = arith.cmpi ne, %convert_element_type3A_234, %cond3A_235 : i32
      scf.if %cond3A_236 {
        %dma_wait3A_425 = arith.constant 3 : i32
        %dma_wait3A_426 = arith.constant 3 : i32
        %dma_wait3A_427 = arith.constant 0 : i32
        %dma_wait3A_428 = arith.constant 0 : i32
        %dma_wait3A_429 = arith.constant 0 : i32
        %dma_wait3A_430 = tpu.memref_slice %arg6[%dma_wait3A_425, %dma_wait3A_428, %dma_wait3A_429] : memref<4x80x128xf32, #tpu.memory_space<vmem>> -> memref<1x80x128xf32, #tpu.memory_space<vmem>>
        %dma_wait3A_431 = tpu.memref_squeeze %dma_wait3A_430 : memref<1x80x128xf32, #tpu.memory_space<vmem>> -> memref<80x128xf32, #tpu.memory_space<vmem>>
        %dma_wait3A_432 = arith.constant 0 : i32
        %dma_wait3A_433 = tpu.memref_slice %arg7[%dma_wait3A_426, %dma_wait3A_427, %dma_wait3A_432] : memref<4x1x80xi32, #tpu.memory_space<vmem>> -> memref<1x1x80xi32, #tpu.memory_space<vmem>>
        %dma_wait3A_434 = tpu.memref_squeeze %dma_wait3A_433 : memref<1x1x80xi32, #tpu.memory_space<vmem>> -> memref<80xi32, #tpu.memory_space<vmem>>
        %dma_wait3A_435 = arith.constant 0 : i32
        %dma_wait3A_436 = arith.constant 0 : i32
        %dma_wait3A_437 = tpu.memref_slice %arg8[%dma_wait3A_435, %dma_wait3A_436] : memref<10000x128xf32, #tpu.memory_space<vmem_shared>> -> memref<10000x128xf32, #tpu.memory_space<vmem_shared>>
        tpu.wait_indirect_dma semaphore(%arg16 : memref<!tpu.dma_semaphore, #tpu.memory_space<semaphore_mem>>) src(%dma_wait3A_431 : memref<80x128xf32, #tpu.memory_space<vmem>>) dst(%dma_wait3A_437 : memref<10000x128xf32, #tpu.memory_space<vmem_shared>>)
      } else {
      }
      %add3A_237 = arith.constant 4 : i32
      %add3A_238 = arith.addi %add3A_188, %add3A_237 : i32
      %sub3A = arith.constant 1 : i32
      %sub3A_239 = arith.subi %add3A_238, %sub3A : i32
      %lt3A_240 = arith.constant 125 : i32
      %lt3A_241 = arith.cmpi slt, %sub3A_239, %lt3A_240 : i32
      %convert_element_type3A_242 = arith.extui %lt3A_241 : i1 to i32
      %cond3A_243 = arith.constant 0 : i32
      %cond3A_244 = arith.cmpi ne, %convert_element_type3A_242, %cond3A_243 : i32
      scf.if %cond3A_244 {
        %add3A_425 = arith.constant 4 : i32
        %add3A_426 = arith.addi %add3A_188, %add3A_425 : i32
        %sub3A_427 = arith.constant 1 : i32
        %sub3A_428 = arith.subi %add3A_426, %sub3A_427 : i32
        %mul3A_429 = arith.constant 80 : i32
        %mul3A_430 = arith.muli %sub3A_428, %mul3A_429 : i32
        %add3A_431 = arith.addi %mul3A_2, %mul3A_430 : i32
        %dma_start3A_432 = arith.constant 3 : i32
        %dma_start3A_433 = arith.constant 0 : i32
        %dma_start3A_434 = arith.constant 0 : i32
        %dma_start3A_435 = tpu.memref_slice %arg6[%dma_start3A_432, %dma_start3A_433, %dma_start3A_434] : memref<4x80x128xf32, #tpu.memory_space<vmem>> -> memref<1x80x128xf32, #tpu.memory_space<vmem>>
        %dma_start3A_436 = tpu.memref_squeeze %dma_start3A_435 : memref<1x80x128xf32, #tpu.memory_space<vmem>> -> memref<80x128xf32, #tpu.memory_space<vmem>>
        %dma_start3A_437 = arith.constant 0 : i32
        %dma_start3A_438 = tpu.memref_slice %arg2[%add3A_431, %dma_start3A_437] : memref<320000x128xf32, #tpu.memory_space<hbm>> -> memref<80x128xf32, #tpu.memory_space<hbm>>
        %dma_start3A_439 = arith.constant 0 : i32
        %dma_start3A_440 = arith.constant 0 : i32
        %dma_start3A_441 = tpu.memref_slice %arg6[%dma_start3A_432, %dma_start3A_439, %dma_start3A_440] : memref<4x80x128xf32, #tpu.memory_space<vmem>> -> memref<1x80x128xf32, #tpu.memory_space<vmem>>
        %dma_start3A_442 = tpu.memref_squeeze %dma_start3A_441 : memref<1x80x128xf32, #tpu.memory_space<vmem>> -> memref<80x128xf32, #tpu.memory_space<vmem>>
        %dma_start3A_443 = arith.constant 0 : i32
        %dma_start3A_444 = tpu.memref_slice %arg2[%add3A_431, %dma_start3A_443] : memref<320000x128xf32, #tpu.memory_space<hbm>> -> memref<80x128xf32, #tpu.memory_space<hbm>>
        tpu.enqueue_dma source(%dma_start3A_444 : memref<80x128xf32, #tpu.memory_space<hbm>>) target(%dma_start3A_442 : memref<80x128xf32, #tpu.memory_space<vmem>>) target_semaphore(%arg12 : memref<!tpu.dma_semaphore, #tpu.memory_space<semaphore_mem>>)
        %dma_start3A_445 = arith.constant 3 : i32
        %dma_start3A_446 = arith.constant 0 : i32
        %dma_start3A_447 = arith.constant 0 : i32
        %dma_start3A_448 = tpu.memref_slice %arg7[%dma_start3A_445, %dma_start3A_446, %dma_start3A_447] : memref<4x1x80xi32, #tpu.memory_space<vmem>> -> memref<1x1x80xi32, #tpu.memory_space<vmem>>
        %dma_start3A_449 = tpu.memref_squeeze %dma_start3A_448 : memref<1x1x80xi32, #tpu.memory_space<vmem>> -> memref<1x80xi32, #tpu.memory_space<vmem>>
        %dma_start3A_450 = arith.constant 0 : i32
        %dma_start3A_451 = tpu.memref_slice %arg3[%add3A, %sub3A_428, %dma_start3A_450] : memref<32x125x80xi32, #tpu.memory_space<hbm>> -> memref<1x1x80xi32, #tpu.memory_space<hbm>>
        %dma_start3A_452 = tpu.memref_squeeze %dma_start3A_451 : memref<1x1x80xi32, #tpu.memory_space<hbm>> -> memref<1x80xi32, #tpu.memory_space<hbm>>
        %dma_start3A_453 = arith.constant 0 : i32
        %dma_start3A_454 = arith.constant 0 : i32
        %dma_start3A_455 = tpu.memref_slice %arg7[%dma_start3A_445, %dma_start3A_453, %dma_start3A_454] : memref<4x1x80xi32, #tpu.memory_space<vmem>> -> memref<1x1x80xi32, #tpu.memory_space<vmem>>
        %dma_start3A_456 = tpu.memref_squeeze %dma_start3A_455 : memref<1x1x80xi32, #tpu.memory_space<vmem>> -> memref<1x80xi32, #tpu.memory_space<vmem>>
        %dma_start3A_457 = arith.constant 0 : i32
        %dma_start3A_458 = tpu.memref_slice %arg3[%add3A, %sub3A_428, %dma_start3A_457] : memref<32x125x80xi32, #tpu.memory_space<hbm>> -> memref<1x1x80xi32, #tpu.memory_space<hbm>>
        %dma_start3A_459 = tpu.memref_squeeze %dma_start3A_458 : memref<1x1x80xi32, #tpu.memory_space<hbm>> -> memref<1x80xi32, #tpu.memory_space<hbm>>
        tpu.enqueue_dma source(%dma_start3A_459 : memref<1x80xi32, #tpu.memory_space<hbm>>) target(%dma_start3A_456 : memref<1x80xi32, #tpu.memory_space<vmem>>) target_semaphore(%arg12 : memref<!tpu.dma_semaphore, #tpu.memory_space<semaphore_mem>>)
      } else {
      }
      %add3A_245 = arith.constant 1 : i32
      %add3A_246 = arith.addi %add3A_186, %add3A_245 : i32
      %mul3A_247 = arith.constant 80 : i32
      %mul3A_248 = arith.muli %add3A_246, %mul3A_247 : i32
      %add3A_249 = arith.addi %mul3A_2, %mul3A_248 : i32
      %dma_wait3A_250 = arith.constant 1 : i32
      %dma_wait3A_251 = arith.constant 0 : i32
      %dma_wait3A_252 = arith.constant 0 : i32
      %dma_wait3A_253 = tpu.memref_slice %arg6[%dma_wait3A_250, %dma_wait3A_251, %dma_wait3A_252] : memref<4x80x128xf32, #tpu.memory_space<vmem>> -> memref<1x80x128xf32, #tpu.memory_space<vmem>>
      %dma_wait3A_254 = tpu.memref_squeeze %dma_wait3A_253 : memref<1x80x128xf32, #tpu.memory_space<vmem>> -> memref<80x128xf32, #tpu.memory_space<vmem>>
      %dma_wait3A_255 = arith.constant 0 : i32
      %dma_wait3A_256 = tpu.memref_slice %arg2[%add3A_249, %dma_wait3A_255] : memref<320000x128xf32, #tpu.memory_space<hbm>> -> memref<80x128xf32, #tpu.memory_space<hbm>>
      %dma_wait3A_257 = arith.constant 0 : i32
      %dma_wait3A_258 = arith.constant 0 : i32
      %dma_wait3A_259 = tpu.memref_slice %arg6[%dma_wait3A_250, %dma_wait3A_257, %dma_wait3A_258] : memref<4x80x128xf32, #tpu.memory_space<vmem>> -> memref<1x80x128xf32, #tpu.memory_space<vmem>>
      %dma_wait3A_260 = tpu.memref_squeeze %dma_wait3A_259 : memref<1x80x128xf32, #tpu.memory_space<vmem>> -> memref<80x128xf32, #tpu.memory_space<vmem>>
      %dma_wait3A_261 = arith.constant 0 : i32
      %dma_wait3A_262 = tpu.memref_slice %arg2[%add3A_249, %dma_wait3A_261] : memref<320000x128xf32, #tpu.memory_space<hbm>> -> memref<80x128xf32, #tpu.memory_space<hbm>>
      tpu.wait_dma2 semaphore(%arg10 : memref<!tpu.dma_semaphore, #tpu.memory_space<semaphore_mem>>) src(%dma_wait3A_262 : memref<80x128xf32, #tpu.memory_space<hbm>>) dst(%dma_wait3A_260 : memref<80x128xf32, #tpu.memory_space<vmem>>)
      %dma_wait3A_263 = arith.constant 1 : i32
      %dma_wait3A_264 = arith.constant 0 : i32
      %dma_wait3A_265 = arith.constant 0 : i32
      %dma_wait3A_266 = tpu.memref_slice %arg7[%dma_wait3A_263, %dma_wait3A_264, %dma_wait3A_265] : memref<4x1x80xi32, #tpu.memory_space<vmem>> -> memref<1x1x80xi32, #tpu.memory_space<vmem>>
      %dma_wait3A_267 = tpu.memref_squeeze %dma_wait3A_266 : memref<1x1x80xi32, #tpu.memory_space<vmem>> -> memref<1x80xi32, #tpu.memory_space<vmem>>
      %dma_wait3A_268 = arith.constant 0 : i32
      %dma_wait3A_269 = tpu.memref_slice %arg3[%add3A, %add3A_246, %dma_wait3A_268] : memref<32x125x80xi32, #tpu.memory_space<hbm>> -> memref<1x1x80xi32, #tpu.memory_space<hbm>>
      %dma_wait3A_270 = tpu.memref_squeeze %dma_wait3A_269 : memref<1x1x80xi32, #tpu.memory_space<hbm>> -> memref<1x80xi32, #tpu.memory_space<hbm>>
      %dma_wait3A_271 = arith.constant 0 : i32
      %dma_wait3A_272 = arith.constant 0 : i32
      %dma_wait3A_273 = tpu.memref_slice %arg7[%dma_wait3A_263, %dma_wait3A_271, %dma_wait3A_272] : memref<4x1x80xi32, #tpu.memory_space<vmem>> -> memref<1x1x80xi32, #tpu.memory_space<vmem>>
      %dma_wait3A_274 = tpu.memref_squeeze %dma_wait3A_273 : memref<1x1x80xi32, #tpu.memory_space<vmem>> -> memref<1x80xi32, #tpu.memory_space<vmem>>
      %dma_wait3A_275 = arith.constant 0 : i32
      %dma_wait3A_276 = tpu.memref_slice %arg3[%add3A, %add3A_246, %dma_wait3A_275] : memref<32x125x80xi32, #tpu.memory_space<hbm>> -> memref<1x1x80xi32, #tpu.memory_space<hbm>>
      %dma_wait3A_277 = tpu.memref_squeeze %dma_wait3A_276 : memref<1x1x80xi32, #tpu.memory_space<hbm>> -> memref<1x80xi32, #tpu.memory_space<hbm>>
      tpu.wait_dma2 semaphore(%arg10 : memref<!tpu.dma_semaphore, #tpu.memory_space<semaphore_mem>>) src(%dma_wait3A_277 : memref<1x80xi32, #tpu.memory_space<hbm>>) dst(%dma_wait3A_274 : memref<1x80xi32, #tpu.memory_space<vmem>>)
      %dma_start3A_278 = arith.constant 1 : i32
      %dma_start3A_279 = arith.constant 1 : i32
      %dma_start3A_280 = arith.constant 0 : i32
      %dma_start3A_281 = arith.constant 0 : i32
      %dma_start3A_282 = arith.constant 0 : i32
      %dma_start3A_283 = tpu.memref_slice %arg6[%dma_start3A_278, %dma_start3A_281, %dma_start3A_282] : memref<4x80x128xf32, #tpu.memory_space<vmem>> -> memref<1x80x128xf32, #tpu.memory_space<vmem>>
      %dma_start3A_284 = tpu.memref_squeeze %dma_start3A_283 : memref<1x80x128xf32, #tpu.memory_space<vmem>> -> memref<80x128xf32, #tpu.memory_space<vmem>>
      %dma_start3A_285 = arith.constant 0 : i32
      %dma_start3A_286 = tpu.memref_slice %arg7[%dma_start3A_279, %dma_start3A_280, %dma_start3A_285] : memref<4x1x80xi32, #tpu.memory_space<vmem>> -> memref<1x1x80xi32, #tpu.memory_space<vmem>>
      %dma_start3A_287 = tpu.memref_squeeze %dma_start3A_286 : memref<1x1x80xi32, #tpu.memory_space<vmem>> -> memref<80xi32, #tpu.memory_space<vmem>>
      %dma_start3A_288 = arith.constant 0 : i32
      %dma_start3A_289 = arith.constant 0 : i32
      %dma_start3A_290 = tpu.memref_slice %arg8[%dma_start3A_288, %dma_start3A_289] : memref<10000x128xf32, #tpu.memory_space<vmem_shared>> -> memref<10000x128xf32, #tpu.memory_space<vmem_shared>>
      tpu.enqueue_indirect_dma source(%dma_start3A_284 : memref<80x128xf32, #tpu.memory_space<vmem>>) target(%dma_start3A_290 : memref<10000x128xf32, #tpu.memory_space<vmem_shared>>) offsets(%dma_start3A_287 : memref<80xi32, #tpu.memory_space<vmem>>) semaphore(%arg14 : memref<!tpu.dma_semaphore, #tpu.memory_space<semaphore_mem>>) {add = true}
      %ge3A_291 = arith.constant 1 : i32
      %ge3A_292 = arith.cmpi sge, %add3A_246, %ge3A_291 : i32
      %convert_element_type3A_293 = arith.extui %ge3A_292 : i1 to i32
      %cond3A_294 = arith.constant 0 : i32
      %cond3A_295 = arith.cmpi ne, %convert_element_type3A_293, %cond3A_294 : i32
      scf.if %cond3A_295 {
        %dma_wait3A_425 = arith.constant 0 : i32
        %dma_wait3A_426 = arith.constant 0 : i32
        %dma_wait3A_427 = arith.constant 0 : i32
        %dma_wait3A_428 = arith.constant 0 : i32
        %dma_wait3A_429 = arith.constant 0 : i32
        %dma_wait3A_430 = tpu.memref_slice %arg6[%dma_wait3A_425, %dma_wait3A_428, %dma_wait3A_429] : memref<4x80x128xf32, #tpu.memory_space<vmem>> -> memref<1x80x128xf32, #tpu.memory_space<vmem>>
        %dma_wait3A_431 = tpu.memref_squeeze %dma_wait3A_430 : memref<1x80x128xf32, #tpu.memory_space<vmem>> -> memref<80x128xf32, #tpu.memory_space<vmem>>
        %dma_wait3A_432 = arith.constant 0 : i32
        %dma_wait3A_433 = tpu.memref_slice %arg7[%dma_wait3A_426, %dma_wait3A_427, %dma_wait3A_432] : memref<4x1x80xi32, #tpu.memory_space<vmem>> -> memref<1x1x80xi32, #tpu.memory_space<vmem>>
        %dma_wait3A_434 = tpu.memref_squeeze %dma_wait3A_433 : memref<1x1x80xi32, #tpu.memory_space<vmem>> -> memref<80xi32, #tpu.memory_space<vmem>>
        %dma_wait3A_435 = arith.constant 0 : i32
        %dma_wait3A_436 = arith.constant 0 : i32
        %dma_wait3A_437 = tpu.memref_slice %arg8[%dma_wait3A_435, %dma_wait3A_436] : memref<10000x128xf32, #tpu.memory_space<vmem_shared>> -> memref<10000x128xf32, #tpu.memory_space<vmem_shared>>
        tpu.wait_indirect_dma semaphore(%arg13 : memref<!tpu.dma_semaphore, #tpu.memory_space<semaphore_mem>>) src(%dma_wait3A_431 : memref<80x128xf32, #tpu.memory_space<vmem>>) dst(%dma_wait3A_437 : memref<10000x128xf32, #tpu.memory_space<vmem_shared>>)
      } else {
      }
      %add3A_296 = arith.constant 4 : i32
      %add3A_297 = arith.addi %add3A_246, %add3A_296 : i32
      %sub3A_298 = arith.constant 1 : i32
      %sub3A_299 = arith.subi %add3A_297, %sub3A_298 : i32
      %lt3A_300 = arith.constant 125 : i32
      %lt3A_301 = arith.cmpi slt, %sub3A_299, %lt3A_300 : i32
      %convert_element_type3A_302 = arith.extui %lt3A_301 : i1 to i32
      %cond3A_303 = arith.constant 0 : i32
      %cond3A_304 = arith.cmpi ne, %convert_element_type3A_302, %cond3A_303 : i32
      scf.if %cond3A_304 {
        %add3A_425 = arith.constant 4 : i32
        %add3A_426 = arith.addi %add3A_246, %add3A_425 : i32
        %sub3A_427 = arith.constant 1 : i32
        %sub3A_428 = arith.subi %add3A_426, %sub3A_427 : i32
        %mul3A_429 = arith.constant 80 : i32
        %mul3A_430 = arith.muli %sub3A_428, %mul3A_429 : i32
        %add3A_431 = arith.addi %mul3A_2, %mul3A_430 : i32
        %dma_start3A_432 = arith.constant 0 : i32
        %dma_start3A_433 = arith.constant 0 : i32
        %dma_start3A_434 = arith.constant 0 : i32
        %dma_start3A_435 = tpu.memref_slice %arg6[%dma_start3A_432, %dma_start3A_433, %dma_start3A_434] : memref<4x80x128xf32, #tpu.memory_space<vmem>> -> memref<1x80x128xf32, #tpu.memory_space<vmem>>
        %dma_start3A_436 = tpu.memref_squeeze %dma_start3A_435 : memref<1x80x128xf32, #tpu.memory_space<vmem>> -> memref<80x128xf32, #tpu.memory_space<vmem>>
        %dma_start3A_437 = arith.constant 0 : i32
        %dma_start3A_438 = tpu.memref_slice %arg2[%add3A_431, %dma_start3A_437] : memref<320000x128xf32, #tpu.memory_space<hbm>> -> memref<80x128xf32, #tpu.memory_space<hbm>>
        %dma_start3A_439 = arith.constant 0 : i32
        %dma_start3A_440 = arith.constant 0 : i32
        %dma_start3A_441 = tpu.memref_slice %arg6[%dma_start3A_432, %dma_start3A_439, %dma_start3A_440] : memref<4x80x128xf32, #tpu.memory_space<vmem>> -> memref<1x80x128xf32, #tpu.memory_space<vmem>>
        %dma_start3A_442 = tpu.memref_squeeze %dma_start3A_441 : memref<1x80x128xf32, #tpu.memory_space<vmem>> -> memref<80x128xf32, #tpu.memory_space<vmem>>
        %dma_start3A_443 = arith.constant 0 : i32
        %dma_start3A_444 = tpu.memref_slice %arg2[%add3A_431, %dma_start3A_443] : memref<320000x128xf32, #tpu.memory_space<hbm>> -> memref<80x128xf32, #tpu.memory_space<hbm>>
        tpu.enqueue_dma source(%dma_start3A_444 : memref<80x128xf32, #tpu.memory_space<hbm>>) target(%dma_start3A_442 : memref<80x128xf32, #tpu.memory_space<vmem>>) target_semaphore(%arg9 : memref<!tpu.dma_semaphore, #tpu.memory_space<semaphore_mem>>)
        %dma_start3A_445 = arith.constant 0 : i32
        %dma_start3A_446 = arith.constant 0 : i32
        %dma_start3A_447 = arith.constant 0 : i32
        %dma_start3A_448 = tpu.memref_slice %arg7[%dma_start3A_445, %dma_start3A_446, %dma_start3A_447] : memref<4x1x80xi32, #tpu.memory_space<vmem>> -> memref<1x1x80xi32, #tpu.memory_space<vmem>>
        %dma_start3A_449 = tpu.memref_squeeze %dma_start3A_448 : memref<1x1x80xi32, #tpu.memory_space<vmem>> -> memref<1x80xi32, #tpu.memory_space<vmem>>
        %dma_start3A_450 = arith.constant 0 : i32
        %dma_start3A_451 = tpu.memref_slice %arg3[%add3A, %sub3A_428, %dma_start3A_450] : memref<32x125x80xi32, #tpu.memory_space<hbm>> -> memref<1x1x80xi32, #tpu.memory_space<hbm>>
        %dma_start3A_452 = tpu.memref_squeeze %dma_start3A_451 : memref<1x1x80xi32, #tpu.memory_space<hbm>> -> memref<1x80xi32, #tpu.memory_space<hbm>>
        %dma_start3A_453 = arith.constant 0 : i32
        %dma_start3A_454 = arith.constant 0 : i32
        %dma_start3A_455 = tpu.memref_slice %arg7[%dma_start3A_445, %dma_start3A_453, %dma_start3A_454] : memref<4x1x80xi32, #tpu.memory_space<vmem>> -> memref<1x1x80xi32, #tpu.memory_space<vmem>>
        %dma_start3A_456 = tpu.memref_squeeze %dma_start3A_455 : memref<1x1x80xi32, #tpu.memory_space<vmem>> -> memref<1x80xi32, #tpu.memory_space<vmem>>
        %dma_start3A_457 = arith.constant 0 : i32
        %dma_start3A_458 = tpu.memref_slice %arg3[%add3A, %sub3A_428, %dma_start3A_457] : memref<32x125x80xi32, #tpu.memory_space<hbm>> -> memref<1x1x80xi32, #tpu.memory_space<hbm>>
        %dma_start3A_459 = tpu.memref_squeeze %dma_start3A_458 : memref<1x1x80xi32, #tpu.memory_space<hbm>> -> memref<1x80xi32, #tpu.memory_space<hbm>>
        tpu.enqueue_dma source(%dma_start3A_459 : memref<1x80xi32, #tpu.memory_space<hbm>>) target(%dma_start3A_456 : memref<1x80xi32, #tpu.memory_space<vmem>>) target_semaphore(%arg9 : memref<!tpu.dma_semaphore, #tpu.memory_space<semaphore_mem>>)
      } else {
      }
      %add3A_305 = arith.constant 2 : i32
      %add3A_306 = arith.addi %add3A_186, %add3A_305 : i32
      %mul3A_307 = arith.constant 80 : i32
      %mul3A_308 = arith.muli %add3A_306, %mul3A_307 : i32
      %add3A_309 = arith.addi %mul3A_2, %mul3A_308 : i32
      %dma_wait3A_310 = arith.constant 2 : i32
      %dma_wait3A_311 = arith.constant 0 : i32
      %dma_wait3A_312 = arith.constant 0 : i32
      %dma_wait3A_313 = tpu.memref_slice %arg6[%dma_wait3A_310, %dma_wait3A_311, %dma_wait3A_312] : memref<4x80x128xf32, #tpu.memory_space<vmem>> -> memref<1x80x128xf32, #tpu.memory_space<vmem>>
      %dma_wait3A_314 = tpu.memref_squeeze %dma_wait3A_313 : memref<1x80x128xf32, #tpu.memory_space<vmem>> -> memref<80x128xf32, #tpu.memory_space<vmem>>
      %dma_wait3A_315 = arith.constant 0 : i32
      %dma_wait3A_316 = tpu.memref_slice %arg2[%add3A_309, %dma_wait3A_315] : memref<320000x128xf32, #tpu.memory_space<hbm>> -> memref<80x128xf32, #tpu.memory_space<hbm>>
      %dma_wait3A_317 = arith.constant 0 : i32
      %dma_wait3A_318 = arith.constant 0 : i32
      %dma_wait3A_319 = tpu.memref_slice %arg6[%dma_wait3A_310, %dma_wait3A_317, %dma_wait3A_318] : memref<4x80x128xf32, #tpu.memory_space<vmem>> -> memref<1x80x128xf32, #tpu.memory_space<vmem>>
      %dma_wait3A_320 = tpu.memref_squeeze %dma_wait3A_319 : memref<1x80x128xf32, #tpu.memory_space<vmem>> -> memref<80x128xf32, #tpu.memory_space<vmem>>
      %dma_wait3A_321 = arith.constant 0 : i32
      %dma_wait3A_322 = tpu.memref_slice %arg2[%add3A_309, %dma_wait3A_321] : memref<320000x128xf32, #tpu.memory_space<hbm>> -> memref<80x128xf32, #tpu.memory_space<hbm>>
      tpu.wait_dma2 semaphore(%arg11 : memref<!tpu.dma_semaphore, #tpu.memory_space<semaphore_mem>>) src(%dma_wait3A_322 : memref<80x128xf32, #tpu.memory_space<hbm>>) dst(%dma_wait3A_320 : memref<80x128xf32, #tpu.memory_space<vmem>>)
      %dma_wait3A_323 = arith.constant 2 : i32
      %dma_wait3A_324 = arith.constant 0 : i32
      %dma_wait3A_325 = arith.constant 0 : i32
      %dma_wait3A_326 = tpu.memref_slice %arg7[%dma_wait3A_323, %dma_wait3A_324, %dma_wait3A_325] : memref<4x1x80xi32, #tpu.memory_space<vmem>> -> memref<1x1x80xi32, #tpu.memory_space<vmem>>
      %dma_wait3A_327 = tpu.memref_squeeze %dma_wait3A_326 : memref<1x1x80xi32, #tpu.memory_space<vmem>> -> memref<1x80xi32, #tpu.memory_space<vmem>>
      %dma_wait3A_328 = arith.constant 0 : i32
      %dma_wait3A_329 = tpu.memref_slice %arg3[%add3A, %add3A_306, %dma_wait3A_328] : memref<32x125x80xi32, #tpu.memory_space<hbm>> -> memref<1x1x80xi32, #tpu.memory_space<hbm>>
      %dma_wait3A_330 = tpu.memref_squeeze %dma_wait3A_329 : memref<1x1x80xi32, #tpu.memory_space<hbm>> -> memref<1x80xi32, #tpu.memory_space<hbm>>
      %dma_wait3A_331 = arith.constant 0 : i32
      %dma_wait3A_332 = arith.constant 0 : i32
      %dma_wait3A_333 = tpu.memref_slice %arg7[%dma_wait3A_323, %dma_wait3A_331, %dma_wait3A_332] : memref<4x1x80xi32, #tpu.memory_space<vmem>> -> memref<1x1x80xi32, #tpu.memory_space<vmem>>
      %dma_wait3A_334 = tpu.memref_squeeze %dma_wait3A_333 : memref<1x1x80xi32, #tpu.memory_space<vmem>> -> memref<1x80xi32, #tpu.memory_space<vmem>>
      %dma_wait3A_335 = arith.constant 0 : i32
      %dma_wait3A_336 = tpu.memref_slice %arg3[%add3A, %add3A_306, %dma_wait3A_335] : memref<32x125x80xi32, #tpu.memory_space<hbm>> -> memref<1x1x80xi32, #tpu.memory_space<hbm>>
      %dma_wait3A_337 = tpu.memref_squeeze %dma_wait3A_336 : memref<1x1x80xi32, #tpu.memory_space<hbm>> -> memref<1x80xi32, #tpu.memory_space<hbm>>
      tpu.wait_dma2 semaphore(%arg11 : memref<!tpu.dma_semaphore, #tpu.memory_space<semaphore_mem>>) src(%dma_wait3A_337 : memref<1x80xi32, #tpu.memory_space<hbm>>) dst(%dma_wait3A_334 : memref<1x80xi32, #tpu.memory_space<vmem>>)
      %dma_start3A_338 = arith.constant 2 : i32
      %dma_start3A_339 = arith.constant 2 : i32
      %dma_start3A_340 = arith.constant 0 : i32
      %dma_start3A_341 = arith.constant 0 : i32
      %dma_start3A_342 = arith.constant 0 : i32
      %dma_start3A_343 = tpu.memref_slice %arg6[%dma_start3A_338, %dma_start3A_341, %dma_start3A_342] : memref<4x80x128xf32, #tpu.memory_space<vmem>> -> memref<1x80x128xf32, #tpu.memory_space<vmem>>
      %dma_start3A_344 = tpu.memref_squeeze %dma_start3A_343 : memref<1x80x128xf32, #tpu.memory_space<vmem>> -> memref<80x128xf32, #tpu.memory_space<vmem>>
      %dma_start3A_345 = arith.constant 0 : i32
      %dma_start3A_346 = tpu.memref_slice %arg7[%dma_start3A_339, %dma_start3A_340, %dma_start3A_345] : memref<4x1x80xi32, #tpu.memory_space<vmem>> -> memref<1x1x80xi32, #tpu.memory_space<vmem>>
      %dma_start3A_347 = tpu.memref_squeeze %dma_start3A_346 : memref<1x1x80xi32, #tpu.memory_space<vmem>> -> memref<80xi32, #tpu.memory_space<vmem>>
      %dma_start3A_348 = arith.constant 0 : i32
      %dma_start3A_349 = arith.constant 0 : i32
      %dma_start3A_350 = tpu.memref_slice %arg8[%dma_start3A_348, %dma_start3A_349] : memref<10000x128xf32, #tpu.memory_space<vmem_shared>> -> memref<10000x128xf32, #tpu.memory_space<vmem_shared>>
      tpu.enqueue_indirect_dma source(%dma_start3A_344 : memref<80x128xf32, #tpu.memory_space<vmem>>) target(%dma_start3A_350 : memref<10000x128xf32, #tpu.memory_space<vmem_shared>>) offsets(%dma_start3A_347 : memref<80xi32, #tpu.memory_space<vmem>>) semaphore(%arg15 : memref<!tpu.dma_semaphore, #tpu.memory_space<semaphore_mem>>) {add = true}
      %ge3A_351 = arith.constant 1 : i32
      %ge3A_352 = arith.cmpi sge, %add3A_306, %ge3A_351 : i32
      %convert_element_type3A_353 = arith.extui %ge3A_352 : i1 to i32
      %cond3A_354 = arith.constant 0 : i32
      %cond3A_355 = arith.cmpi ne, %convert_element_type3A_353, %cond3A_354 : i32
      scf.if %cond3A_355 {
        %dma_wait3A_425 = arith.constant 1 : i32
        %dma_wait3A_426 = arith.constant 1 : i32
        %dma_wait3A_427 = arith.constant 0 : i32
        %dma_wait3A_428 = arith.constant 0 : i32
        %dma_wait3A_429 = arith.constant 0 : i32
        %dma_wait3A_430 = tpu.memref_slice %arg6[%dma_wait3A_425, %dma_wait3A_428, %dma_wait3A_429] : memref<4x80x128xf32, #tpu.memory_space<vmem>> -> memref<1x80x128xf32, #tpu.memory_space<vmem>>
        %dma_wait3A_431 = tpu.memref_squeeze %dma_wait3A_430 : memref<1x80x128xf32, #tpu.memory_space<vmem>> -> memref<80x128xf32, #tpu.memory_space<vmem>>
        %dma_wait3A_432 = arith.constant 0 : i32
        %dma_wait3A_433 = tpu.memref_slice %arg7[%dma_wait3A_426, %dma_wait3A_427, %dma_wait3A_432] : memref<4x1x80xi32, #tpu.memory_space<vmem>> -> memref<1x1x80xi32, #tpu.memory_space<vmem>>
        %dma_wait3A_434 = tpu.memref_squeeze %dma_wait3A_433 : memref<1x1x80xi32, #tpu.memory_space<vmem>> -> memref<80xi32, #tpu.memory_space<vmem>>
        %dma_wait3A_435 = arith.constant 0 : i32
        %dma_wait3A_436 = arith.constant 0 : i32
        %dma_wait3A_437 = tpu.memref_slice %arg8[%dma_wait3A_435, %dma_wait3A_436] : memref<10000x128xf32, #tpu.memory_space<vmem_shared>> -> memref<10000x128xf32, #tpu.memory_space<vmem_shared>>
        tpu.wait_indirect_dma semaphore(%arg14 : memref<!tpu.dma_semaphore, #tpu.memory_space<semaphore_mem>>) src(%dma_wait3A_431 : memref<80x128xf32, #tpu.memory_space<vmem>>) dst(%dma_wait3A_437 : memref<10000x128xf32, #tpu.memory_space<vmem_shared>>)
      } else {
      }
      %add3A_356 = arith.constant 4 : i32
      %add3A_357 = arith.addi %add3A_306, %add3A_356 : i32
      %sub3A_358 = arith.constant 1 : i32
      %sub3A_359 = arith.subi %add3A_357, %sub3A_358 : i32
      %lt3A_360 = arith.constant 125 : i32
      %lt3A_361 = arith.cmpi slt, %sub3A_359, %lt3A_360 : i32
      %convert_element_type3A_362 = arith.extui %lt3A_361 : i1 to i32
      %cond3A_363 = arith.constant 0 : i32
      %cond3A_364 = arith.cmpi ne, %convert_element_type3A_362, %cond3A_363 : i32
      scf.if %cond3A_364 {
        %add3A_425 = arith.constant 4 : i32
        %add3A_426 = arith.addi %add3A_306, %add3A_425 : i32
        %sub3A_427 = arith.constant 1 : i32
        %sub3A_428 = arith.subi %add3A_426, %sub3A_427 : i32
        %mul3A_429 = arith.constant 80 : i32
        %mul3A_430 = arith.muli %sub3A_428, %mul3A_429 : i32
        %add3A_431 = arith.addi %mul3A_2, %mul3A_430 : i32
        %dma_start3A_432 = arith.constant 1 : i32
        %dma_start3A_433 = arith.constant 0 : i32
        %dma_start3A_434 = arith.constant 0 : i32
        %dma_start3A_435 = tpu.memref_slice %arg6[%dma_start3A_432, %dma_start3A_433, %dma_start3A_434] : memref<4x80x128xf32, #tpu.memory_space<vmem>> -> memref<1x80x128xf32, #tpu.memory_space<vmem>>
        %dma_start3A_436 = tpu.memref_squeeze %dma_start3A_435 : memref<1x80x128xf32, #tpu.memory_space<vmem>> -> memref<80x128xf32, #tpu.memory_space<vmem>>
        %dma_start3A_437 = arith.constant 0 : i32
        %dma_start3A_438 = tpu.memref_slice %arg2[%add3A_431, %dma_start3A_437] : memref<320000x128xf32, #tpu.memory_space<hbm>> -> memref<80x128xf32, #tpu.memory_space<hbm>>
        %dma_start3A_439 = arith.constant 0 : i32
        %dma_start3A_440 = arith.constant 0 : i32
        %dma_start3A_441 = tpu.memref_slice %arg6[%dma_start3A_432, %dma_start3A_439, %dma_start3A_440] : memref<4x80x128xf32, #tpu.memory_space<vmem>> -> memref<1x80x128xf32, #tpu.memory_space<vmem>>
        %dma_start3A_442 = tpu.memref_squeeze %dma_start3A_441 : memref<1x80x128xf32, #tpu.memory_space<vmem>> -> memref<80x128xf32, #tpu.memory_space<vmem>>
        %dma_start3A_443 = arith.constant 0 : i32
        %dma_start3A_444 = tpu.memref_slice %arg2[%add3A_431, %dma_start3A_443] : memref<320000x128xf32, #tpu.memory_space<hbm>> -> memref<80x128xf32, #tpu.memory_space<hbm>>
        tpu.enqueue_dma source(%dma_start3A_444 : memref<80x128xf32, #tpu.memory_space<hbm>>) target(%dma_start3A_442 : memref<80x128xf32, #tpu.memory_space<vmem>>) target_semaphore(%arg10 : memref<!tpu.dma_semaphore, #tpu.memory_space<semaphore_mem>>)
        %dma_start3A_445 = arith.constant 1 : i32
        %dma_start3A_446 = arith.constant 0 : i32
        %dma_start3A_447 = arith.constant 0 : i32
        %dma_start3A_448 = tpu.memref_slice %arg7[%dma_start3A_445, %dma_start3A_446, %dma_start3A_447] : memref<4x1x80xi32, #tpu.memory_space<vmem>> -> memref<1x1x80xi32, #tpu.memory_space<vmem>>
        %dma_start3A_449 = tpu.memref_squeeze %dma_start3A_448 : memref<1x1x80xi32, #tpu.memory_space<vmem>> -> memref<1x80xi32, #tpu.memory_space<vmem>>
        %dma_start3A_450 = arith.constant 0 : i32
        %dma_start3A_451 = tpu.memref_slice %arg3[%add3A, %sub3A_428, %dma_start3A_450] : memref<32x125x80xi32, #tpu.memory_space<hbm>> -> memref<1x1x80xi32, #tpu.memory_space<hbm>>
        %dma_start3A_452 = tpu.memref_squeeze %dma_start3A_451 : memref<1x1x80xi32, #tpu.memory_space<hbm>> -> memref<1x80xi32, #tpu.memory_space<hbm>>
        %dma_start3A_453 = arith.constant 0 : i32
        %dma_start3A_454 = arith.constant 0 : i32
        %dma_start3A_455 = tpu.memref_slice %arg7[%dma_start3A_445, %dma_start3A_453, %dma_start3A_454] : memref<4x1x80xi32, #tpu.memory_space<vmem>> -> memref<1x1x80xi32, #tpu.memory_space<vmem>>
        %dma_start3A_456 = tpu.memref_squeeze %dma_start3A_455 : memref<1x1x80xi32, #tpu.memory_space<vmem>> -> memref<1x80xi32, #tpu.memory_space<vmem>>
        %dma_start3A_457 = arith.constant 0 : i32
        %dma_start3A_458 = tpu.memref_slice %arg3[%add3A, %sub3A_428, %dma_start3A_457] : memref<32x125x80xi32, #tpu.memory_space<hbm>> -> memref<1x1x80xi32, #tpu.memory_space<hbm>>
        %dma_start3A_459 = tpu.memref_squeeze %dma_start3A_458 : memref<1x1x80xi32, #tpu.memory_space<hbm>> -> memref<1x80xi32, #tpu.memory_space<hbm>>
        tpu.enqueue_dma source(%dma_start3A_459 : memref<1x80xi32, #tpu.memory_space<hbm>>) target(%dma_start3A_456 : memref<1x80xi32, #tpu.memory_space<vmem>>) target_semaphore(%arg10 : memref<!tpu.dma_semaphore, #tpu.memory_space<semaphore_mem>>)
      } else {
      }
      %add3A_365 = arith.constant 3 : i32
      %add3A_366 = arith.addi %add3A_186, %add3A_365 : i32
      %mul3A_367 = arith.constant 80 : i32
      %mul3A_368 = arith.muli %add3A_366, %mul3A_367 : i32
      %add3A_369 = arith.addi %mul3A_2, %mul3A_368 : i32
      %dma_wait3A_370 = arith.constant 3 : i32
      %dma_wait3A_371 = arith.constant 0 : i32
      %dma_wait3A_372 = arith.constant 0 : i32
      %dma_wait3A_373 = tpu.memref_slice %arg6[%dma_wait3A_370, %dma_wait3A_371, %dma_wait3A_372] : memref<4x80x128xf32, #tpu.memory_space<vmem>> -> memref<1x80x128xf32, #tpu.memory_space<vmem>>
      %dma_wait3A_374 = tpu.memref_squeeze %dma_wait3A_373 : memref<1x80x128xf32, #tpu.memory_space<vmem>> -> memref<80x128xf32, #tpu.memory_space<vmem>>
      %dma_wait3A_375 = arith.constant 0 : i32
      %dma_wait3A_376 = tpu.memref_slice %arg2[%add3A_369, %dma_wait3A_375] : memref<320000x128xf32, #tpu.memory_space<hbm>> -> memref<80x128xf32, #tpu.memory_space<hbm>>
      %dma_wait3A_377 = arith.constant 0 : i32
      %dma_wait3A_378 = arith.constant 0 : i32
      %dma_wait3A_379 = tpu.memref_slice %arg6[%dma_wait3A_370, %dma_wait3A_377, %dma_wait3A_378] : memref<4x80x128xf32, #tpu.memory_space<vmem>> -> memref<1x80x128xf32, #tpu.memory_space<vmem>>
      %dma_wait3A_380 = tpu.memref_squeeze %dma_wait3A_379 : memref<1x80x128xf32, #tpu.memory_space<vmem>> -> memref<80x128xf32, #tpu.memory_space<vmem>>
      %dma_wait3A_381 = arith.constant 0 : i32
      %dma_wait3A_382 = tpu.memref_slice %arg2[%add3A_369, %dma_wait3A_381] : memref<320000x128xf32, #tpu.memory_space<hbm>> -> memref<80x128xf32, #tpu.memory_space<hbm>>
      tpu.wait_dma2 semaphore(%arg12 : memref<!tpu.dma_semaphore, #tpu.memory_space<semaphore_mem>>) src(%dma_wait3A_382 : memref<80x128xf32, #tpu.memory_space<hbm>>) dst(%dma_wait3A_380 : memref<80x128xf32, #tpu.memory_space<vmem>>)
      %dma_wait3A_383 = arith.constant 3 : i32
      %dma_wait3A_384 = arith.constant 0 : i32
      %dma_wait3A_385 = arith.constant 0 : i32
      %dma_wait3A_386 = tpu.memref_slice %arg7[%dma_wait3A_383, %dma_wait3A_384, %dma_wait3A_385] : memref<4x1x80xi32, #tpu.memory_space<vmem>> -> memref<1x1x80xi32, #tpu.memory_space<vmem>>
      %dma_wait3A_387 = tpu.memref_squeeze %dma_wait3A_386 : memref<1x1x80xi32, #tpu.memory_space<vmem>> -> memref<1x80xi32, #tpu.memory_space<vmem>>
      %dma_wait3A_388 = arith.constant 0 : i32
      %dma_wait3A_389 = tpu.memref_slice %arg3[%add3A, %add3A_366, %dma_wait3A_388] : memref<32x125x80xi32, #tpu.memory_space<hbm>> -> memref<1x1x80xi32, #tpu.memory_space<hbm>>
      %dma_wait3A_390 = tpu.memref_squeeze %dma_wait3A_389 : memref<1x1x80xi32, #tpu.memory_space<hbm>> -> memref<1x80xi32, #tpu.memory_space<hbm>>
      %dma_wait3A_391 = arith.constant 0 : i32
      %dma_wait3A_392 = arith.constant 0 : i32
      %dma_wait3A_393 = tpu.memref_slice %arg7[%dma_wait3A_383, %dma_wait3A_391, %dma_wait3A_392] : memref<4x1x80xi32, #tpu.memory_space<vmem>> -> memref<1x1x80xi32, #tpu.memory_space<vmem>>
      %dma_wait3A_394 = tpu.memref_squeeze %dma_wait3A_393 : memref<1x1x80xi32, #tpu.memory_space<vmem>> -> memref<1x80xi32, #tpu.memory_space<vmem>>
      %dma_wait3A_395 = arith.constant 0 : i32
      %dma_wait3A_396 = tpu.memref_slice %arg3[%add3A, %add3A_366, %dma_wait3A_395] : memref<32x125x80xi32, #tpu.memory_space<hbm>> -> memref<1x1x80xi32, #tpu.memory_space<hbm>>
      %dma_wait3A_397 = tpu.memref_squeeze %dma_wait3A_396 : memref<1x1x80xi32, #tpu.memory_space<hbm>> -> memref<1x80xi32, #tpu.memory_space<hbm>>
      tpu.wait_dma2 semaphore(%arg12 : memref<!tpu.dma_semaphore, #tpu.memory_space<semaphore_mem>>) src(%dma_wait3A_397 : memref<1x80xi32, #tpu.memory_space<hbm>>) dst(%dma_wait3A_394 : memref<1x80xi32, #tpu.memory_space<vmem>>)
      %dma_start3A_398 = arith.constant 3 : i32
      %dma_start3A_399 = arith.constant 3 : i32
      %dma_start3A_400 = arith.constant 0 : i32
      %dma_start3A_401 = arith.constant 0 : i32
      %dma_start3A_402 = arith.constant 0 : i32
      %dma_start3A_403 = tpu.memref_slice %arg6[%dma_start3A_398, %dma_start3A_401, %dma_start3A_402] : memref<4x80x128xf32, #tpu.memory_space<vmem>> -> memref<1x80x128xf32, #tpu.memory_space<vmem>>
      %dma_start3A_404 = tpu.memref_squeeze %dma_start3A_403 : memref<1x80x128xf32, #tpu.memory_space<vmem>> -> memref<80x128xf32, #tpu.memory_space<vmem>>
      %dma_start3A_405 = arith.constant 0 : i32
      %dma_start3A_406 = tpu.memref_slice %arg7[%dma_start3A_399, %dma_start3A_400, %dma_start3A_405] : memref<4x1x80xi32, #tpu.memory_space<vmem>> -> memref<1x1x80xi32, #tpu.memory_space<vmem>>
      %dma_start3A_407 = tpu.memref_squeeze %dma_start3A_406 : memref<1x1x80xi32, #tpu.memory_space<vmem>> -> memref<80xi32, #tpu.memory_space<vmem>>
      %dma_start3A_408 = arith.constant 0 : i32
      %dma_start3A_409 = arith.constant 0 : i32
      %dma_start3A_410 = tpu.memref_slice %arg8[%dma_start3A_408, %dma_start3A_409] : memref<10000x128xf32, #tpu.memory_space<vmem_shared>> -> memref<10000x128xf32, #tpu.memory_space<vmem_shared>>
      tpu.enqueue_indirect_dma source(%dma_start3A_404 : memref<80x128xf32, #tpu.memory_space<vmem>>) target(%dma_start3A_410 : memref<10000x128xf32, #tpu.memory_space<vmem_shared>>) offsets(%dma_start3A_407 : memref<80xi32, #tpu.memory_space<vmem>>) semaphore(%arg16 : memref<!tpu.dma_semaphore, #tpu.memory_space<semaphore_mem>>) {add = true}
      %ge3A_411 = arith.constant 1 : i32
      %ge3A_412 = arith.cmpi sge, %add3A_366, %ge3A_411 : i32
      %convert_element_type3A_413 = arith.extui %ge3A_412 : i1 to i32
      %cond3A_414 = arith.constant 0 : i32
      %cond3A_415 = arith.cmpi ne, %convert_element_type3A_413, %cond3A_414 : i32
      scf.if %cond3A_415 {
        %dma_wait3A_425 = arith.constant 2 : i32
        %dma_wait3A_426 = arith.constant 2 : i32
        %dma_wait3A_427 = arith.constant 0 : i32
        %dma_wait3A_428 = arith.constant 0 : i32
        %dma_wait3A_429 = arith.constant 0 : i32
        %dma_wait3A_430 = tpu.memref_slice %arg6[%dma_wait3A_425, %dma_wait3A_428, %dma_wait3A_429] : memref<4x80x128xf32, #tpu.memory_space<vmem>> -> memref<1x80x128xf32, #tpu.memory_space<vmem>>
        %dma_wait3A_431 = tpu.memref_squeeze %dma_wait3A_430 : memref<1x80x128xf32, #tpu.memory_space<vmem>> -> memref<80x128xf32, #tpu.memory_space<vmem>>
        %dma_wait3A_432 = arith.constant 0 : i32
        %dma_wait3A_433 = tpu.memref_slice %arg7[%dma_wait3A_426, %dma_wait3A_427, %dma_wait3A_432] : memref<4x1x80xi32, #tpu.memory_space<vmem>> -> memref<1x1x80xi32, #tpu.memory_space<vmem>>
        %dma_wait3A_434 = tpu.memref_squeeze %dma_wait3A_433 : memref<1x1x80xi32, #tpu.memory_space<vmem>> -> memref<80xi32, #tpu.memory_space<vmem>>
        %dma_wait3A_435 = arith.constant 0 : i32
        %dma_wait3A_436 = arith.constant 0 : i32
        %dma_wait3A_437 = tpu.memref_slice %arg8[%dma_wait3A_435, %dma_wait3A_436] : memref<10000x128xf32, #tpu.memory_space<vmem_shared>> -> memref<10000x128xf32, #tpu.memory_space<vmem_shared>>
        tpu.wait_indirect_dma semaphore(%arg15 : memref<!tpu.dma_semaphore, #tpu.memory_space<semaphore_mem>>) src(%dma_wait3A_431 : memref<80x128xf32, #tpu.memory_space<vmem>>) dst(%dma_wait3A_437 : memref<10000x128xf32, #tpu.memory_space<vmem_shared>>)
      } else {
      }
      %add3A_416 = arith.constant 4 : i32
      %add3A_417 = arith.addi %add3A_366, %add3A_416 : i32
      %sub3A_418 = arith.constant 1 : i32
      %sub3A_419 = arith.subi %add3A_417, %sub3A_418 : i32
      %lt3A_420 = arith.constant 125 : i32
      %lt3A_421 = arith.cmpi slt, %sub3A_419, %lt3A_420 : i32
      %convert_element_type3A_422 = arith.extui %lt3A_421 : i1 to i32
      %cond3A_423 = arith.constant 0 : i32
      %cond3A_424 = arith.cmpi ne, %convert_element_type3A_422, %cond3A_423 : i32
      scf.if %cond3A_424 {
        %add3A_425 = arith.constant 4 : i32
        %add3A_426 = arith.addi %add3A_366, %add3A_425 : i32
        %sub3A_427 = arith.constant 1 : i32
        %sub3A_428 = arith.subi %add3A_426, %sub3A_427 : i32
        %mul3A_429 = arith.constant 80 : i32
        %mul3A_430 = arith.muli %sub3A_428, %mul3A_429 : i32
        %add3A_431 = arith.addi %mul3A_2, %mul3A_430 : i32
        %dma_start3A_432 = arith.constant 2 : i32
        %dma_start3A_433 = arith.constant 0 : i32
        %dma_start3A_434 = arith.constant 0 : i32
        %dma_start3A_435 = tpu.memref_slice %arg6[%dma_start3A_432, %dma_start3A_433, %dma_start3A_434] : memref<4x80x128xf32, #tpu.memory_space<vmem>> -> memref<1x80x128xf32, #tpu.memory_space<vmem>>
        %dma_start3A_436 = tpu.memref_squeeze %dma_start3A_435 : memref<1x80x128xf32, #tpu.memory_space<vmem>> -> memref<80x128xf32, #tpu.memory_space<vmem>>
        %dma_start3A_437 = arith.constant 0 : i32
        %dma_start3A_438 = tpu.memref_slice %arg2[%add3A_431, %dma_start3A_437] : memref<320000x128xf32, #tpu.memory_space<hbm>> -> memref<80x128xf32, #tpu.memory_space<hbm>>
        %dma_start3A_439 = arith.constant 0 : i32
        %dma_start3A_440 = arith.constant 0 : i32
        %dma_start3A_441 = tpu.memref_slice %arg6[%dma_start3A_432, %dma_start3A_439, %dma_start3A_440] : memref<4x80x128xf32, #tpu.memory_space<vmem>> -> memref<1x80x128xf32, #tpu.memory_space<vmem>>
        %dma_start3A_442 = tpu.memref_squeeze %dma_start3A_441 : memref<1x80x128xf32, #tpu.memory_space<vmem>> -> memref<80x128xf32, #tpu.memory_space<vmem>>
        %dma_start3A_443 = arith.constant 0 : i32
        %dma_start3A_444 = tpu.memref_slice %arg2[%add3A_431, %dma_start3A_443] : memref<320000x128xf32, #tpu.memory_space<hbm>> -> memref<80x128xf32, #tpu.memory_space<hbm>>
        tpu.enqueue_dma source(%dma_start3A_444 : memref<80x128xf32, #tpu.memory_space<hbm>>) target(%dma_start3A_442 : memref<80x128xf32, #tpu.memory_space<vmem>>) target_semaphore(%arg11 : memref<!tpu.dma_semaphore, #tpu.memory_space<semaphore_mem>>)
        %dma_start3A_445 = arith.constant 2 : i32
        %dma_start3A_446 = arith.constant 0 : i32
        %dma_start3A_447 = arith.constant 0 : i32
        %dma_start3A_448 = tpu.memref_slice %arg7[%dma_start3A_445, %dma_start3A_446, %dma_start3A_447] : memref<4x1x80xi32, #tpu.memory_space<vmem>> -> memref<1x1x80xi32, #tpu.memory_space<vmem>>
        %dma_start3A_449 = tpu.memref_squeeze %dma_start3A_448 : memref<1x1x80xi32, #tpu.memory_space<vmem>> -> memref<1x80xi32, #tpu.memory_space<vmem>>
        %dma_start3A_450 = arith.constant 0 : i32
        %dma_start3A_451 = tpu.memref_slice %arg3[%add3A, %sub3A_428, %dma_start3A_450] : memref<32x125x80xi32, #tpu.memory_space<hbm>> -> memref<1x1x80xi32, #tpu.memory_space<hbm>>
        %dma_start3A_452 = tpu.memref_squeeze %dma_start3A_451 : memref<1x1x80xi32, #tpu.memory_space<hbm>> -> memref<1x80xi32, #tpu.memory_space<hbm>>
        %dma_start3A_453 = arith.constant 0 : i32
        %dma_start3A_454 = arith.constant 0 : i32
        %dma_start3A_455 = tpu.memref_slice %arg7[%dma_start3A_445, %dma_start3A_453, %dma_start3A_454] : memref<4x1x80xi32, #tpu.memory_space<vmem>> -> memref<1x1x80xi32, #tpu.memory_space<vmem>>
        %dma_start3A_456 = tpu.memref_squeeze %dma_start3A_455 : memref<1x1x80xi32, #tpu.memory_space<vmem>> -> memref<1x80xi32, #tpu.memory_space<vmem>>
        %dma_start3A_457 = arith.constant 0 : i32
        %dma_start3A_458 = tpu.memref_slice %arg3[%add3A, %sub3A_428, %dma_start3A_457] : memref<32x125x80xi32, #tpu.memory_space<hbm>> -> memref<1x1x80xi32, #tpu.memory_space<hbm>>
        %dma_start3A_459 = tpu.memref_squeeze %dma_start3A_458 : memref<1x1x80xi32, #tpu.memory_space<hbm>> -> memref<1x80xi32, #tpu.memory_space<hbm>>
        tpu.enqueue_dma source(%dma_start3A_459 : memref<1x80xi32, #tpu.memory_space<hbm>>) target(%dma_start3A_456 : memref<1x80xi32, #tpu.memory_space<vmem>>) target_semaphore(%arg11 : memref<!tpu.dma_semaphore, #tpu.memory_space<semaphore_mem>>)
      } else {
      }
    }
    %scan3A_105 = arith.constant 31 : i32
    %add3A_106 = arith.constant 9920 : i32
    %add3A_107 = arith.addi %mul3A_2, %add3A_106 : i32
    %dma_wait3A = arith.constant 0 : i32
    %dma_wait3A_108 = arith.constant 0 : i32
    %dma_wait3A_109 = arith.constant 0 : i32
    %dma_wait3A_110 = tpu.memref_slice %arg6[%dma_wait3A, %dma_wait3A_108, %dma_wait3A_109] : memref<4x80x128xf32, #tpu.memory_space<vmem>> -> memref<1x80x128xf32, #tpu.memory_space<vmem>>
    %dma_wait3A_111 = tpu.memref_squeeze %dma_wait3A_110 : memref<1x80x128xf32, #tpu.memory_space<vmem>> -> memref<80x128xf32, #tpu.memory_space<vmem>>
    %dma_wait3A_112 = arith.constant 0 : i32
    %dma_wait3A_113 = tpu.memref_slice %arg2[%add3A_107, %dma_wait3A_112] : memref<320000x128xf32, #tpu.memory_space<hbm>> -> memref<80x128xf32, #tpu.memory_space<hbm>>
    %dma_wait3A_114 = arith.constant 0 : i32
    %dma_wait3A_115 = arith.constant 0 : i32
    %dma_wait3A_116 = tpu.memref_slice %arg6[%dma_wait3A, %dma_wait3A_114, %dma_wait3A_115] : memref<4x80x128xf32, #tpu.memory_space<vmem>> -> memref<1x80x128xf32, #tpu.memory_space<vmem>>
    %dma_wait3A_117 = tpu.memref_squeeze %dma_wait3A_116 : memref<1x80x128xf32, #tpu.memory_space<vmem>> -> memref<80x128xf32, #tpu.memory_space<vmem>>
    %dma_wait3A_118 = arith.constant 0 : i32
    %dma_wait3A_119 = tpu.memref_slice %arg2[%add3A_107, %dma_wait3A_118] : memref<320000x128xf32, #tpu.memory_space<hbm>> -> memref<80x128xf32, #tpu.memory_space<hbm>>
    tpu.wait_dma2 semaphore(%arg9 : memref<!tpu.dma_semaphore, #tpu.memory_space<semaphore_mem>>) src(%dma_wait3A_119 : memref<80x128xf32, #tpu.memory_space<hbm>>) dst(%dma_wait3A_117 : memref<80x128xf32, #tpu.memory_space<vmem>>)
    %dma_wait3A_120 = arith.constant 0 : i32
    %dma_wait3A_121 = arith.constant 0 : i32
    %dma_wait3A_122 = arith.constant 0 : i32
    %dma_wait3A_123 = tpu.memref_slice %arg7[%dma_wait3A_120, %dma_wait3A_121, %dma_wait3A_122] : memref<4x1x80xi32, #tpu.memory_space<vmem>> -> memref<1x1x80xi32, #tpu.memory_space<vmem>>
    %dma_wait3A_124 = tpu.memref_squeeze %dma_wait3A_123 : memref<1x1x80xi32, #tpu.memory_space<vmem>> -> memref<1x80xi32, #tpu.memory_space<vmem>>
    %dma_wait3A_125 = arith.constant 124 : i32
    %dma_wait3A_126 = arith.constant 0 : i32
    %dma_wait3A_127 = tpu.memref_slice %arg3[%add3A, %dma_wait3A_125, %dma_wait3A_126] : memref<32x125x80xi32, #tpu.memory_space<hbm>> -> memref<1x1x80xi32, #tpu.memory_space<hbm>>
    %dma_wait3A_128 = tpu.memref_squeeze %dma_wait3A_127 : memref<1x1x80xi32, #tpu.memory_space<hbm>> -> memref<1x80xi32, #tpu.memory_space<hbm>>
    %dma_wait3A_129 = arith.constant 0 : i32
    %dma_wait3A_130 = arith.constant 0 : i32
    %dma_wait3A_131 = tpu.memref_slice %arg7[%dma_wait3A_120, %dma_wait3A_129, %dma_wait3A_130] : memref<4x1x80xi32, #tpu.memory_space<vmem>> -> memref<1x1x80xi32, #tpu.memory_space<vmem>>
    %dma_wait3A_132 = tpu.memref_squeeze %dma_wait3A_131 : memref<1x1x80xi32, #tpu.memory_space<vmem>> -> memref<1x80xi32, #tpu.memory_space<vmem>>
    %dma_wait3A_133 = arith.constant 124 : i32
    %dma_wait3A_134 = arith.constant 0 : i32
    %dma_wait3A_135 = tpu.memref_slice %arg3[%add3A, %dma_wait3A_133, %dma_wait3A_134] : memref<32x125x80xi32, #tpu.memory_space<hbm>> -> memref<1x1x80xi32, #tpu.memory_space<hbm>>
    %dma_wait3A_136 = tpu.memref_squeeze %dma_wait3A_135 : memref<1x1x80xi32, #tpu.memory_space<hbm>> -> memref<1x80xi32, #tpu.memory_space<hbm>>
    tpu.wait_dma2 semaphore(%arg9 : memref<!tpu.dma_semaphore, #tpu.memory_space<semaphore_mem>>) src(%dma_wait3A_136 : memref<1x80xi32, #tpu.memory_space<hbm>>) dst(%dma_wait3A_132 : memref<1x80xi32, #tpu.memory_space<vmem>>)
    %dma_start3A_137 = arith.constant 0 : i32
    %dma_start3A_138 = arith.constant 0 : i32
    %dma_start3A_139 = arith.constant 0 : i32
    %dma_start3A_140 = arith.constant 0 : i32
    %dma_start3A_141 = arith.constant 0 : i32
    %dma_start3A_142 = tpu.memref_slice %arg6[%dma_start3A_137, %dma_start3A_140, %dma_start3A_141] : memref<4x80x128xf32, #tpu.memory_space<vmem>> -> memref<1x80x128xf32, #tpu.memory_space<vmem>>
    %dma_start3A_143 = tpu.memref_squeeze %dma_start3A_142 : memref<1x80x128xf32, #tpu.memory_space<vmem>> -> memref<80x128xf32, #tpu.memory_space<vmem>>
    %dma_start3A_144 = arith.constant 0 : i32
    %dma_start3A_145 = tpu.memref_slice %arg7[%dma_start3A_138, %dma_start3A_139, %dma_start3A_144] : memref<4x1x80xi32, #tpu.memory_space<vmem>> -> memref<1x1x80xi32, #tpu.memory_space<vmem>>
    %dma_start3A_146 = tpu.memref_squeeze %dma_start3A_145 : memref<1x1x80xi32, #tpu.memory_space<vmem>> -> memref<80xi32, #tpu.memory_space<vmem>>
    %dma_start3A_147 = arith.constant 0 : i32
    %dma_start3A_148 = arith.constant 0 : i32
    %dma_start3A_149 = tpu.memref_slice %arg8[%dma_start3A_147, %dma_start3A_148] : memref<10000x128xf32, #tpu.memory_space<vmem_shared>> -> memref<10000x128xf32, #tpu.memory_space<vmem_shared>>
    tpu.enqueue_indirect_dma source(%dma_start3A_143 : memref<80x128xf32, #tpu.memory_space<vmem>>) target(%dma_start3A_149 : memref<10000x128xf32, #tpu.memory_space<vmem_shared>>) offsets(%dma_start3A_146 : memref<80xi32, #tpu.memory_space<vmem>>) semaphore(%arg13 : memref<!tpu.dma_semaphore, #tpu.memory_space<semaphore_mem>>) {add = true}
    %dma_wait3A_150 = arith.constant 3 : i32
    %dma_wait3A_151 = arith.constant 3 : i32
    %dma_wait3A_152 = arith.constant 0 : i32
    %dma_wait3A_153 = arith.constant 0 : i32
    %dma_wait3A_154 = arith.constant 0 : i32
    %dma_wait3A_155 = tpu.memref_slice %arg6[%dma_wait3A_150, %dma_wait3A_153, %dma_wait3A_154] : memref<4x80x128xf32, #tpu.memory_space<vmem>> -> memref<1x80x128xf32, #tpu.memory_space<vmem>>
    %dma_wait3A_156 = tpu.memref_squeeze %dma_wait3A_155 : memref<1x80x128xf32, #tpu.memory_space<vmem>> -> memref<80x128xf32, #tpu.memory_space<vmem>>
    %dma_wait3A_157 = arith.constant 0 : i32
    %dma_wait3A_158 = tpu.memref_slice %arg7[%dma_wait3A_151, %dma_wait3A_152, %dma_wait3A_157] : memref<4x1x80xi32, #tpu.memory_space<vmem>> -> memref<1x1x80xi32, #tpu.memory_space<vmem>>
    %dma_wait3A_159 = tpu.memref_squeeze %dma_wait3A_158 : memref<1x1x80xi32, #tpu.memory_space<vmem>> -> memref<80xi32, #tpu.memory_space<vmem>>
    %dma_wait3A_160 = arith.constant 0 : i32
    %dma_wait3A_161 = arith.constant 0 : i32
    %dma_wait3A_162 = tpu.memref_slice %arg8[%dma_wait3A_160, %dma_wait3A_161] : memref<10000x128xf32, #tpu.memory_space<vmem_shared>> -> memref<10000x128xf32, #tpu.memory_space<vmem_shared>>
    tpu.wait_indirect_dma semaphore(%arg16 : memref<!tpu.dma_semaphore, #tpu.memory_space<semaphore_mem>>) src(%dma_wait3A_156 : memref<80x128xf32, #tpu.memory_space<vmem>>) dst(%dma_wait3A_162 : memref<10000x128xf32, #tpu.memory_space<vmem_shared>>)
    %dma_wait3A_163 = arith.constant 0 : i32
    %dma_wait3A_164 = arith.constant 0 : i32
    %dma_wait3A_165 = arith.constant 0 : i32
    %dma_wait3A_166 = arith.constant 0 : i32
    %dma_wait3A_167 = arith.constant 0 : i32
    %dma_wait3A_168 = tpu.memref_slice %arg6[%dma_wait3A_163, %dma_wait3A_166, %dma_wait3A_167] : memref<4x80x128xf32, #tpu.memory_space<vmem>> -> memref<1x80x128xf32, #tpu.memory_space<vmem>>
    %dma_wait3A_169 = tpu.memref_squeeze %dma_wait3A_168 : memref<1x80x128xf32, #tpu.memory_space<vmem>> -> memref<80x128xf32, #tpu.memory_space<vmem>>
    %dma_wait3A_170 = arith.constant 0 : i32
    %dma_wait3A_171 = tpu.memref_slice %arg7[%dma_wait3A_164, %dma_wait3A_165, %dma_wait3A_170] : memref<4x1x80xi32, #tpu.memory_space<vmem>> -> memref<1x1x80xi32, #tpu.memory_space<vmem>>
    %dma_wait3A_172 = tpu.memref_squeeze %dma_wait3A_171 : memref<1x1x80xi32, #tpu.memory_space<vmem>> -> memref<80xi32, #tpu.memory_space<vmem>>
    %dma_wait3A_173 = arith.constant 0 : i32
    %dma_wait3A_174 = arith.constant 0 : i32
    %dma_wait3A_175 = tpu.memref_slice %arg8[%dma_wait3A_173, %dma_wait3A_174] : memref<10000x128xf32, #tpu.memory_space<vmem_shared>> -> memref<10000x128xf32, #tpu.memory_space<vmem_shared>>
    tpu.wait_indirect_dma semaphore(%arg13 : memref<!tpu.dma_semaphore, #tpu.memory_space<semaphore_mem>>) src(%dma_wait3A_169 : memref<80x128xf32, #tpu.memory_space<vmem>>) dst(%dma_wait3A_175 : memref<10000x128xf32, #tpu.memory_space<vmem_shared>>)
    %barrier3A_176 = arith.constant 0 : index
    tpu.barrier barrier_id(%barrier3A_176)
    %lt3A_177 = arith.constant 10 : i32
    %lt3A_178 = arith.cmpi slt, %arg1, %lt3A_177 : i32
    %convert_element_type3A_179 = arith.extui %lt3A_178 : i1 to i32
    %cond3A_180 = arith.constant 0 : i32
    %cond3A_181 = arith.cmpi ne, %convert_element_type3A_179, %cond3A_180 : i32
    scf.if %cond3A_181 {
      "tpu.region"() ({
        %run_scoped3A = tpu.sem_alloc : memref<!tpu.dma_semaphore, #tpu.memory_space<semaphore_mem>>
        %dma_start3A_182 = arith.constant 0 : i32
        %dma_start3A_183 = tpu.memref_slice %arg5[%arg0, %mul3A_4, %dma_start3A_182] : memref<2x10000x128xf32, #tpu.memory_space<hbm>> -> memref<1x1000x128xf32, #tpu.memory_space<hbm>>
        %dma_start3A_184 = tpu.memref_squeeze %dma_start3A_183 : memref<1x1000x128xf32, #tpu.memory_space<hbm>> -> memref<1000x128xf32, #tpu.memory_space<hbm>>
        %dma_start3A_185 = arith.constant 0 : i32
        %dma_start3A_186 = tpu.memref_slice %arg8[%mul3A_4, %dma_start3A_185] : memref<10000x128xf32, #tpu.memory_space<vmem_shared>> -> memref<1000x128xf32, #tpu.memory_space<vmem_shared>>
        tpu.enqueue_dma source(%dma_start3A_186 : memref<1000x128xf32, #tpu.memory_space<vmem_shared>>) target(%dma_start3A_184 : memref<1000x128xf32, #tpu.memory_space<hbm>>) target_semaphore(%run_scoped3A : memref<!tpu.dma_semaphore, #tpu.memory_space<semaphore_mem>>)
        %dma_wait3A_187 = arith.constant 0 : i32
        %dma_wait3A_188 = tpu.memref_slice %arg5[%arg0, %mul3A_4, %dma_wait3A_187] : memref<2x10000x128xf32, #tpu.memory_space<hbm>> -> memref<1x1000x128xf32, #tpu.memory_space<hbm>>
        %dma_wait3A_189 = tpu.memref_squeeze %dma_wait3A_188 : memref<1x1000x128xf32, #tpu.memory_space<hbm>> -> memref<1000x128xf32, #tpu.memory_space<hbm>>
        %dma_wait3A_190 = arith.constant 0 : i32
        %dma_wait3A_191 = tpu.memref_slice %arg8[%mul3A_4, %dma_wait3A_190] : memref<10000x128xf32, #tpu.memory_space<vmem_shared>> -> memref<1000x128xf32, #tpu.memory_space<vmem_shared>>
        tpu.wait_dma2 semaphore(%run_scoped3A : memref<!tpu.dma_semaphore, #tpu.memory_space<semaphore_mem>>) src(%dma_wait3A_191 : memref<1000x128xf32, #tpu.memory_space<vmem_shared>>) dst(%dma_wait3A_189 : memref<1000x128xf32, #tpu.memory_space<hbm>>)
        tpu.yield
      }) : () -> ()
    } else {
    }
    return
  }
}

module attributes {stable_mosaic.version = 14 : i64} {
  func.func @body(%arg0: i32, %arg1: memref<2x1000x128xf32, #tpu.memory_space<vmem>>, %arg2: memref<1000x128xf32, #tpu.memory_space<vmem>>) attributes {dimension_semantics = [#tpu.dimension_semantics<arbitrary>], iteration_bounds = array<i64: 10>, scalar_prefetch = 0 : i64, scratch_operands = 0 : i64, tpu.core_type = #tpu.core_type<tc>, window_params = [{transform_indices = @transform_0, window_bounds = array<i64: 2, 1000, 128>}, {transform_indices = @transform_1, window_bounds = array<i64: 1000, 128>}]} {
    %get3A = arith.constant 0 : index
    %get3A_0 = arith.constant 0 : index
    %get3A_1 = arith.constant 0 : index
    %get3A_2 = vector.load %arg1[%get3A, %get3A_0, %get3A_1] : memref<2x1000x128xf32, #tpu.memory_space<vmem>>, vector<1x1000x128xf32>
    %get3A_3 = vector.shape_cast %get3A_2 : vector<1x1000x128xf32> to vector<1000x128xf32>
    %get3A_4 = arith.constant 1 : index
    %get3A_5 = arith.constant 0 : index
    %get3A_6 = arith.constant 0 : index
    %get3A_7 = vector.load %arg1[%get3A_4, %get3A_5, %get3A_6] : memref<2x1000x128xf32, #tpu.memory_space<vmem>>, vector<1x1000x128xf32>
    %get3A_8 = vector.shape_cast %get3A_7 : vector<1x1000x128xf32> to vector<1000x128xf32>
    %add3A = arith.addf %get3A_3, %get3A_8 : vector<1000x128xf32>
    %swap3A = arith.constant 0 : index
    %swap3A_9 = arith.constant 0 : index
    %swap3A_10 = vector.load %arg2[%swap3A, %swap3A_9] : memref<1000x128xf32, #tpu.memory_space<vmem>>, vector<1000x128xf32>
    tpu.vector_store %arg2[%swap3A, %swap3A_9], %add3A {strides = array<i32>} : memref<1000x128xf32, #tpu.memory_space<vmem>>, vector<1000x128xf32>,
    return
  }
  func.func @transform_0(%arg0: i32) -> (i32, i32, i32) {
    %c0_i32 = arith.constant 0 : i32
    %c0_i32_0 = arith.constant 0 : i32
    %c0_i32_1 = arith.constant 0 : i32
    return %c0_i32, %arg0, %c0_i32_0 : i32, i32, i32
  }
  func.func @transform_1(%arg0: i32) -> (i32, i32) {
    %c0_i32 = arith.constant 0 : i32
    %c0_i32_0 = arith.constant 0 : i32
    return %arg0, %c0_i32 : i32, i32
  }
}

</mosaic_0001>

<sc_bundles>
// kernel: kernel.4.cloned.1.call-start
scs
__scs_entry_jumppad:
0x0: {  	(pc) =	sbr.rel $0x88, $3  }
0x1: {  	(tag) =	ssettag $0x0;
	lr =	simm.s32 $0x1  }
0x2: {  	[smem:$0x3F9F] =	sst lr;
	_ =	strace $0xD0000000  }
0x3: {  	_ = 	snop  }
0x4: {  	_ = 	snop  }
0x5: {  	_ = 	snop  }
0x6: {  	_ = 	snop  }
0x7: {  	_ = 	snop  }
__scs_overlays_trampoline_lowered:
0x8: {  	[smem:$0x3FAE] =	sst s0  }
0x9: {  	[smem:$0x3FAF] =	sst s1  }
0xa: {  	[smem:$0x3FB0] =	sst s2  }
0xb: {  	[smem:$0x3FB1] =	sst s3  }
0xc: {  	[smem:$0x3FB2] =	sst s4  }
0xd: {  	[smem:$0x3FB3] =	sst s5  }
0xe: {  	[smem:$0x3FB4] =	sst s6  }
0xf: {  	[smem:$0x3FB5] =	sst s7  }
0x10: {  	[smem:$0x3FB6] =	sst s8  }
0x11: {  	[smem:$0x3FB7] =	sst s9;
	s0 =	simm.s32 @!p0 $0x0  }
0x12: {  	s1 =	sld [smem:$0x3F9D];
	s0 =	simm.s32 @p0 $0x1  }
0x13: {  	[smem:$0x3FB8] =	sst s0;
	s0 =	simm.s32 @!p1 $0x0  }
0x14: {  	s2 =	sld [smem:$0x3F9C];
	s0 =	simm.s32 @p1 $0x1  }
0x15: {  	[smem:$0x3FB9] =	sst s0;
	s0 =	simm.s32 @!p2 $0x0  }
0x16: {  	s3 =	sld [smem:$0x3FDB];
	s0 =	simm.s32 @p2 $0x1  }
0x17: {  	s4 =	simm.s32 $0x1BF5;
	[smem:$0x3FBB] =	sst s0  }
0x18: {  	s0 =	sld [smem:$0x3F9E];
	_ =	swait.ge [sflag:s4], $0x0  }
0x19: {  	s7 =	sld [smem:$0x3F9F]  }
0x1a: {  	s8 =	sadd.s32 $0xFFFFE003, lr  }
0x1b: {  	s9 =	sadd.s32 $0xFFFFFEF7, lr;
	s5 =	simm.s32 $0xFFFFFFFF;
	p2 =	slt.u32 s8, $0xFFFFF086  }
0x1c: {  	p1 =	slt.u32 s9, $0xF7A;
	s5 =	simm.s32 @!p2 $0x0  }
0x1d: {  	s5 =	simm.s32 @p1 $0x1;
	p0 =	seq.s32 s7, s2  }
0x1e: {  	s7 =	smul.u32 @!p0 $0xF7A, s2;
	p2 =	seq.s32 @!p0 s5, $0x0  }
0x1f: {  	s9 =	smul.u32 $0xF7A, s1;
	s8 =	simm.s32 @!p0 $0x1BF5;
	p2 =	por !p2, p0  }
0x20: {  	[sflag:s8] =	ssyncset.s32 @!p0 $0xFFFFF086;
	s6 =	sadd.s32 @!p0 s3, s7;
	s7 =	simm.s32 @!p0 $0x108  }
0x21: {  	s3 =	sadd.s32 s3, s9;
	s6 =	sadd.s32 @!p0 $0x88, s6;
	s7 =	simm.s32 @p2 $0x1082  }
0x22: {  	[simem:s7], [sflag:s8] =	dma.local @!p0 [hbm:s6], $0xF7A  }
0x23: {  	s9 =	sor.u32 $0xD0000000, s2;
	s6 =	simm.s32 $0x108;
	_ =	swait.ge @!p0 [sflag:s8], $0x0  }
0x24: {  	s3 =	sadd.s32 $0x88, s3;
	s6 =	simm.s32 @!p1 $0x1082;
	[sflag:s4] =	ssyncset.s32 $0xFFFFF086  }
0x25: {  	[simem:s6], [sflag:s4] =	dma.local [hbm:s3], $0xF7A  }
0x26: {  	[smem:$0x3F9F] =	sst s1;
	(tag) =	ssettag s2;
	_ =	strace s9  }
0x27: {  	s1 =	sld [smem:$0x3FAF]  }
0x28: {  	s2 =	sld [smem:$0x3FB0]  }
0x29: {  	s4 =	sld [smem:$0x3FB2]  }
0x2a: {  	p0 =	seq.s32 s5, $0x0;
	s5 =	sld [smem:$0x3FB3]  }
0x2b: {  	s6 =	sld [smem:$0x3FB4]  }
0x2c: {  	s7 =	sld [smem:$0x3FB5]  }
0x2d: {  	s3 =	simm.s32 $0x108;
	s8 =	sld [smem:$0x3FB6]  }
0x2e: {  	s3 =	simm.s32 @!p0 $0x1082;
	s9 =	sld [smem:$0x3FB7]  }
0x2f: {  	lr =	sadd.s32 s0, s3;
	s0 =	sld [smem:$0x3FAE]  }
0x30: {  	s3 =	sld [smem:$0x3FB1]  }
0x31: {  	[smem:$0x3FBA] =	sst s10  }
0x32: {  	s10 =	sld [smem:$0x3FB8];
	_ =	sdelay $0x3  }
0x33: {  	p0 =	seq.s32 s10, $0x1;
	s10 =	sld [smem:$0x3FBA];
	_ =	sdelay $0x3  }
0x34: {  	[smem:$0x3FBA] =	sst s10  }
0x35: {  	s10 =	sld [smem:$0x3FB9];
	_ =	sdelay $0x3  }
0x36: {  	p1 =	seq.s32 s10, $0x1;
	s10 =	sld [smem:$0x3FBA];
	_ =	sdelay $0x3  }
0x37: {  	[smem:$0x3FBA] =	sst s10  }
0x38: {  	s10 =	sld [smem:$0x3FBB]  }
0x39: {  	_ = 	snop;
	(pc) =	sbr.ind lr, $3  }
0x3a: {  	_ = 	snop  }
0x3b: {  	_ = 	snop  }
0x3c: {  	p2 =	seq.s32 s10, $0x1;
	s10 =	sld [smem:$0x3FBA]  }
0x3d: {  	_ =	shalt  }
0x3e: {  	_ =	shalt  }
0x3f: {  	_ =	shalt  }
0x40: {  	_ =	shalt  }
0x41: {  	_ =	shalt  }
0x42: {  	_ =	shalt  }
0x43: {  	_ =	shalt  }
0x44: {  	_ =	shalt  }
0x45: {  	_ =	shalt  }
0x46: {  	_ =	shalt  }
0x47: {  	_ =	shalt  }
0x48: {  	_ =	shalt  }
0x49: {  	_ =	shalt  }
0x4a: {  	_ =	shalt  }
0x4b: {  	_ =	shalt  }
0x4c: {  	_ =	shalt  }
0x4d: {  	_ =	shalt  }
0x4e: {  	_ =	shalt  }
0x4f: {  	_ =	shalt  }
0x50: {  	_ =	shalt  }
0x51: {  	_ =	shalt  }
0x52: {  	_ =	shalt  }
0x53: {  	_ =	shalt  }
0x54: {  	_ =	shalt  }
0x55: {  	_ =	shalt  }
0x56: {  	_ =	shalt  }
0x57: {  	_ =	shalt  }
0x58: {  	_ =	shalt  }
0x59: {  	_ =	shalt  }
0x5a: {  	_ =	shalt  }
0x5b: {  	_ =	shalt  }
0x5c: {  	_ =	shalt  }
0x5d: {  	_ =	shalt  }
0x5e: {  	_ =	shalt  }
0x5f: {  	_ =	shalt  }
0x60: {  	_ =	shalt  }
0x61: {  	_ =	shalt  }
0x62: {  	_ =	shalt  }
0x63: {  	_ =	shalt  }
0x64: {  	_ =	shalt  }
0x65: {  	_ =	shalt  }
0x66: {  	_ =	shalt  }
0x67: {  	_ =	shalt  }
0x68: {  	_ =	shalt  }
0x69: {  	_ =	shalt  }
0x6a: {  	_ =	shalt  }
0x6b: {  	_ =	shalt  }
0x6c: {  	_ =	shalt  }
0x6d: {  	_ =	shalt  }
0x6e: {  	_ =	shalt  }
0x6f: {  	_ =	shalt  }
0x70: {  	_ =	shalt  }
0x71: {  	_ =	shalt  }
0x72: {  	_ =	shalt  }
0x73: {  	_ =	shalt  }
0x74: {  	_ =	shalt  }
0x75: {  	_ =	shalt  }
0x76: {  	_ =	shalt  }
0x77: {  	_ =	shalt  }
0x78: {  	_ =	shalt  }
0x79: {  	_ =	shalt  }
0x7a: {  	_ =	shalt  }
0x7b: {  	_ =	shalt  }
0x7c: {  	_ =	shalt  }
0x7d: {  	_ =	shalt  }
0x7e: {  	_ =	shalt  }
0x7f: {  	_ =	shalt  }
0x80: {  	_ =	shalt  }
0x81: {  	_ =	shalt  }
0x82: {  	_ =	shalt  }
0x83: {  	_ =	shalt  }
0x84: {  	_ =	shalt  }
0x85: {  	_ =	shalt  }
0x86: {  	_ =	shalt  }
0x87: {  	_ =	shalt  }
.Lfunc_end0:
.L_simem_size_0:
called_computation_lowered:
.L_overlay_start_0:
0x88: {  	s2 =	sld [smem:$0x3FD9]  }
0x89: {  	s3 =	sld [smem:$0x3FFE];
	_ =	sdelay $0x1  }
0x8a: {  	s1 =	srdreg.scid  }
0x8b: {  	s0 =	sand.u32 $0x1, s1  }
0x8c: {  	s17 =	sshll.u32 s0, $0xA;
	s2 =	sadd.s32 s3, s2  }
0x8d: {  	s2 =	sadd.s32 s2, s17  }
0x8e: {  	[smem:$0x3FC6] =	sst s2  }
0x8f: {  	_ = 	snop  }
0x90: {  	s2 =	sld [smem:$0x3FC9]  }
0x91: {  	s18 =	sld [smem:$0x3FD0];
	(tm) =	ssettm $0x1  }
0x92: {  	s4 =	sld [smem:$0x3FFB];
	_ =	sdelay $0x3  }
0x93: {  	_ =	strace s4  }
0x94: {  	s4 =	sld [smem:$0x3FFC];
	_ =	sdelay $0x3  }
0x95: {  	_ =	strace s4  }
0x96: {  	s4 =	sld [smem:$0x3FFD];
	_ =	sdelay $0x3  }
0x97: {  	_ =	strace s4  }
0x98: {  	_ =	strace $0x8FFFFFFF  }
0x99: {  	s19 =	sld [smem:$0x3FDB];
	_ =	sdelay $0x1  }
0x9a: {  	s5 =	simm.s32 $_scs_section_size  }
0x9b: {  	s6 =	simm.s32 $_size__tile_overlayer_lowered;
	s7 =	simm.s32 $_tile_overlayer_lowered  }
0x9c: {  	s22 =	simm.s32 $0x1BFF;
	s21 =	sshll.u32 s7, $0x1;
	s4 =	sadd.s32 s5, s19  }
0x9d: {  	s8 =	simm.s32 $0x0;
	s20 =	sshll.u32 s6, $0x1;
	s6 =	sadd.s32 s21, s4  }
0x9e: {  	[timem:s8], [sflag:s22] =	dma.local [hbm:s6], s20  }
0x9f: {  	_ =	swait.ge [sflag:s22], s20  }
0xa0: {  	s5 =	ssub.s32 $0x0, s20;
	[sflag:s22] =	ssyncset.done $0x0  }
0xa1: {  	[sflag:s22] =	ssyncadd.s32 s5;
	_ =	sdelay $0x1  }
0xa2: {  	s23 =	simm.s32 $0x1B8B  }
0xa3: {  	_ =	swait.ge [sflag:s23], $0x1  }
0xa4: {  	[sflag:s23] =	ssyncset.done $0x0  }
0xa5: {  	s25 =	simm.s32 $0x1B8E;
	s24 =	sld [smem:$0x3FFE];
	[sflag:s23] =	ssyncadd.s32 $0xFFFFFFFF  }
0xa6: {  	s26 =	simm.s32 $execute0_lowered;
	[smem:$0x3FD2] =	sst s25  }
0xa7: {  	s6 =	sshll.u32 s26, $0x1;
	_ =	strace $0x80000046;
	[dreg:$0x1] =	wrdreg $0xFFFFFFFF  }
0xa8: {  	s28 =	simm.s32 $_size_execute0_lowered;
	s4 =	sadd.s32 s4, s6;
	[dreg:$0x0] =	wrdreg $0x0  }
0xa9: {  	s6 =	sshll.u32 s28, $0x1;
	[dreg:$0x2] =	wrdreg s4  }
0xaa: {  	[dreg:$0x3] =	wrdreg s6  }
0xab: {  	[dreg:$0x4] =	wrdreg $0xC0  }
0xac: {  	_ =	task [dreg:s8], $0x5FFFF  }
0xad: {  	[dreg:$0x1] =	wrdreg $0xFFFFFFFF  }
0xae: {  	[dreg:$0x0] =	wrdreg $0x60  }
0xaf: {  	[dreg:$0x2] =	wrdreg s2  }
0xb0: {  	[dreg:$0x3] =	wrdreg s24  }
0xb1: {  	[dreg:$0x4] =	wrdreg s18  }
0xb2: {  	[dreg:$0x5] =	wrdreg $0xA2000  }
0xb3: {  	[dreg:$0x6] =	wrdreg $0x9  }
0xb4: {  	_ =	task.clear_ibuf [dreg:s8], $0x7FFFF;
	_ =	strace $0x90000046  }
0xb5: {  	s29 =	simm.s32 $0x9;
	_ =	strace $0x80000048  }
0xb6: {  	_ =	swait.ge [sflag:s29], $0x1  }
0xb7: {  	[sflag:s29] =	ssyncadd.s32 $0xFFFFFFFF  }
0xb8: {  	_ =	strace $0x90000048  }
0xb9: {  	_ =	sfence  }
0xba: {  	s30 =	sld [smem:$0x0];
	_ =	sdelay $0x2  }
0xbb: {  	s31 =	sshll.u32 s1, $0xD;
	s1 =	sshrl.u32 s1, $0x2  }
0xbc: {  	s3 =	sand.u32 $0x4000, s31;
	s1 =	sadd.s32 s1, s30  }
0xbd: {  	s0 =	sor.u32 s3, s0;
	s1 =	sshll.u32 s1, $0x11  }
0xbe: {  	s0 =	sor.u32 s1, s0  }
0xbf: {  	s0 =	sadd.s32 $0x8F2B, s0  }
0xc0: {  	[sflag:s0] =	ssyncadd.remote.s32 $0x1  }
0xc1: {  	_ =	sfence.sel $0xFFFF  }
0xc2: {  	[dreg:$0x0] =	wrdreg $0xFFFFFFFF;
	(pc) =	sbr.abs _section_cstart, $3  }
0xc3: {  	[dreg:$0x1] =	wrdreg $0xFFFFFFFF  }
0xc4: {  	_ =	task.clear_ibuf [dreg:s8], $0x2FFFF;
	_ =	strace $0x9FFFFFFF  }
0xc5: {  	(tm) =	ssettm $0x7FFFFFFF  }
tec
execute0_lowered:
.L_overlay_start_1:
0x0: {  	(tag) =	ssettag $0x1  }
0x1: {  	s1 =	rddreg [dreg:$0x0]  }
0x2: {  	s0 =	rddreg [dreg:$0x1]  }
0x3: {  	s3 =	rddreg [dreg:$0x2]  }
0x4: {  	s2 =	rddreg [dreg:$0x3]  }
0x5: {  	s4 =	srdreg.scid;
	s14 =	stileid.u32  }
0x6: {  	s28 =	simm.s32 $0x3;
	s29 =	simm.s32 $0x7800;
	s8 =	smul.u32 $0x1F400, s14  }
0x7: {  	s30 =	simm.s32 $0xA180;
	s31 =	simm.s32 $0x2;
	s17 =	smul.u32 $0x7D000, s14  }
0x8: {  	s7 =	sand.u32 $0x1, s4;
	s4 =	simm.s32 $0x0;
	s21 =	smul.u32 $0x27100, s14  }
0x9: {  	s5 =	sadd.s32 $0x600, s0;
	p0 =	sgt.u32 s14, $0x9;
	s6 =	smul.u32 $0x138800, s7  }
0xa: {  	[smem:$0x7FF] =	sst s4;
	s9 =	sshll.u32 s7, $0x4;
	s12 =	ssub.s32 $0x2, s7  }
0xb: {  	s7 =	smul.u32 $0x271000, s7;
	_ =	strace $0x80000047;
	s9 =	sor.u32 s14, s9  }
0xc: {  	s13 =	sshrl.u32 s12, $0x1;
	s23 =	sshrl.u32 s17, $0x2;
	s10 =	smul.u32 $0x27100, s9  }
0xd: {  	s6 =	sadd.s32 s8, s6;
	s11 =	smul.u32 $0x138800, s9;
	s12 =	ssub.s32 s12, s13  }
0xe: {  	s8 =	sshll.u32 s9, $0xE;
	s13 =	smul.u32 $0x3E80, s14;
	s7 =	sadd.s32 s7, s1  }
0xf: {  	s6 =	sshrl.u32 s6, $0x3;
	s24 =	sadd.s32 s21, s7;
	s25 =	smax.u32 s12, $0x1  }
0x10: {  	s21 =	simm.s32 $0x5000;
	s7 =	simm.s32 $0x4;
	s12 =	simm.s32 $0x0  }
0x11: {  	s0 =	sadd.s32 s6, s0;
	s6 =	smul.u32 $0x2710, s9;
	s15 =	sadd.s32 s1, s10  }
0x12: {  	s16 =	sshrl.u32 s11, $0x3;
	s9 =	sshll.u32 s9, $0xB;
	[dreg:$0xd] =	wrdreg s25  }
0x13: {  	s3 =	sadd.s32 s3, s13;
	s26 =	sadd.s32 $0x1400, s24;
	[dreg:$0x5] =	wrdreg s15  }
0x14: {  	s25 =	simm.s32 $0x1;
	s11 =	simm.s32 $0x8;
	[dreg:$0xb] =	wrdreg s3  }
0x15: {  	s10 =	sadd.s32 s1, s16;
	s15 =	sadd.s32 s5, s9;
	[dreg:$0xe] =	wrdreg s26  }
0x16: {  	s0 =	sadd.s32 $0x10600, s0;
	s26 =	simm.s32 $0x50;
	[dreg:$0x6] =	wrdreg s15  }
0x17: {  	s3 =	simm.s32 $0x6;
	s18 =	sadd.s32 $0x500, s10;
	[dreg:$0xc] =	wrdreg s0  }
0x18: {  	s19 =	sadd.s32 $0x10, s15;
	s20 =	sadd.s32 $0xA00, s10;
	[dreg:$0x7] =	wrdreg s18  }
.Ltmp0:
0x19: {  	s22 =	sadd.s32 $0x20, s15;
	[dreg:$0x8] =	wrdreg s19;
	(pc) =	sbr.rel .LBB2_1-.Ltmp0, $4  }
0x1a: {  	s10 =	sadd.s32 s23, s2;
	s0 =	sshll.u32 @!p0 s14, $0x6;
	[dreg:$0x9] =	wrdreg s20  }
0x1b: {  	[dreg:$0xa] =	wrdreg s22;
	s18 =	simm.s32 $0xA000;
	s19 =	simm.s32 $0x2800  }
0x1c: {  	s20 =	simm.s32 $0xA080;
	s22 =	simm.s32 $0xA100;
	s23 =	sor.u32 @!p0 $0x1C09, s0  }
0x1d: {  	s24 =	sshrl.u32 @!p0 s10, $0x3;
	s0 =	simm.s32 $0x5;
	s10 =	simm.s32 $0x7  }
.LBB2_4:
0x1e: {  	_ =	swait.ge [sflag:s7], $0x2800  }
0x1f: {  	[sflag:s7] =	ssyncset.done $0x0  }
0x20: {  	[sflag:s7] =	ssyncadd.s32 $0xFFFFD800  }
0x21: {  	_ =	swait.ge [sflag:s7], $0x80  }
0x22: {  	[sflag:s7] =	ssyncset.done $0x0  }
0x23: {  	[sflag:s7] =	ssyncadd.s32 $0xFFFFFF80  }
0x24: {  	[spmem:s2] =	stream.indirect.scatter.add.f32 [tilespmem:s29], [sflag:$0x8], $0x80, s30, s26, $0xb8;
	[tilespmem:$0x1DA80] =	vst v63  }
0x25: {  	_ =	swait.ge [sflag:s10], $0x2800  }
0x26: {  	[sflag:s10] =	ssyncset.done $0x0  }
0x27: {  	[sflag:s10] =	ssyncadd.s32 $0xFFFFD800  }
0x28: {  	_ =	swait.ge [sflag:s25], $0x2800  }
0x29: {  	[sflag:s25] =	ssyncset.done $0x0  }
0x2a: {  	[sflag:s25] =	ssyncadd.s32 $0xFFFFD800  }
0x2b: {  	_ =	swait.ge [sflag:s25], $0x80  }
0x2c: {  	[sflag:s25] =	ssyncset.done $0x0  }
0x2d: {  	[sflag:s25] =	ssyncadd.s32 $0xFFFFFF80  }
0x2e: {  	[spmem:s2] =	stream.indirect.scatter.add.f32 [tilespmem:s4], [sflag:$0x5], $0x80, s18, s26, $0xb8;
	[tilespmem:$0x1DA80] =	vst v63  }
0x2f: {  	_ =	swait.ge [sflag:s11], $0x2800  }
0x30: {  	[sflag:s11] =	ssyncset.done $0x0  }
0x31: {  	[sflag:s11] =	ssyncadd.s32 $0xFFFFD800  }
0x32: {  	_ =	swait.ge [sflag:s0], $0x2800  }
0x33: {  	[sflag:s0] =	ssyncset.done $0x0  }
0x34: {  	[sflag:s0] =	ssyncadd.s32 $0xFFFFD800  }
0x35: {  	[bflag:$0x0] =	sbarrier.arrive $0xFFFF  }
0x36: {  	s9 =	rddreg [dreg:$0xc]  }
0x37: {  	[hbm:s9], [sflag:s23] =	dma.local @!p0 [spmem:s24], $0x3E80  }
0x38: {  	s9 =	simm.s32 @!p0 $0x9  }
0x39: {  	_ =	swait.ge @!p0 [sflag:s9], $0x3E80  }
0x3a: {  	s12 =	sadd.s32 $0x1, s12;
	s13 =	rddreg [dreg:$0xd]  }
0x3b: {  	p1 =	sne.s32 s12, s13  }
.Ltmp1:
0x3c: {  	_ = 	snop;
	(pc) =	sbr.rel @!p1 .LBB2_5-.Ltmp1, $3  }
0x3d: {  	_ =	sdelay $0x1  }
0x3e: {  	[sflag:s9] =	ssyncset.done @!p0 $0x0  }
0x3f: {  	[sflag:s9] =	ssyncadd.s32 @!p0 $0xFFFFC180  }
.LBB2_1:
0x40: {  	s9 =	rddreg [dreg:$0x5]  }
0x41: {  	s13 =	rddreg [dreg:$0x6]  }
0x42: {  	[tilespmem:s4], [sflag:$0x1] =	stream.linear.gather [hbm4b:s9+s4], $0x2800, $0x38;
	[tilespmem:$0x1DA80] =	vst v63  }
0x43: {  	s14 =	rddreg [dreg:$0x7]  }
0x44: {  	[tilespmem:s18], [sflag:$0x1] =	stream.linear.gather [hbm4b:s13+s4], $0x80, $0x38;
	[tilespmem:$0x1DA80] =	vst v63  }
0x45: {  	s15 =	rddreg [dreg:$0x8]  }
0x46: {  	[tilespmem:s19], [sflag:$0x2] =	stream.linear.gather [hbm4b:s14+s4], $0x2800, $0x38;
	[tilespmem:$0x1DA80] =	vst v63  }
0x47: {  	s16 =	rddreg [dreg:$0x9]  }
0x48: {  	[tilespmem:s20], [sflag:$0x2] =	stream.linear.gather [hbm4b:s15+s4], $0x80, $0x38;
	[tilespmem:$0x1DA80] =	vst v63  }
0x49: {  	s17 =	rddreg [dreg:$0xa]  }
0x4a: {  	[tilespmem:s21], [sflag:$0x3] =	stream.linear.gather [hbm4b:s16+s4], $0x2800, $0x38;
	[tilespmem:$0x1DA80] =	vst v63  }
0x4b: {  	s9 =	rddreg [dreg:$0xb]  }
0x4c: {  	[tilespmem:s22], [sflag:$0x3] =	stream.linear.gather [hbm4b:s17+s4], $0x80, $0x38;
	[tilespmem:$0x1DA80] =	vst v63  }
0x4d: {  	[spmem:s24], [sflag:s23] =	dma.local @!p0 [hbm:s9], $0x3E80  }
0x4e: {  	s9 =	simm.s32 @!p0 $0x9  }
0x4f: {  	_ =	swait.ge @!p0 [sflag:s9], $0x3E80  }
0x50: {  	[sflag:s9] =	ssyncset.done @!p0 $0x0  }
0x51: {  	[sflag:s9] =	ssyncadd.s32 @!p0 $0xFFFFC180  }
0x52: {  	[bflag:$0x0] =	sbarrier.arrive $0xFFFF  }
0x53: {  	s14 =	simm.s32 $0x3;
	s15 =	simm.s32 $0x0;
	s17 =	rddreg [dreg:$0xe]  }
.LBB2_2:
0x54: {  	_ =	swait.ge [sflag:s25], $0x2800  }
0x55: {  	[sflag:s25] =	ssyncset.done $0x0  }
0x56: {  	[sflag:s25] =	ssyncadd.s32 $0xFFFFD800  }
0x57: {  	p1 =	seq.s32 s15, $0x0;
	s9 =	smov.u32 s14;
	_ =	swait.ge [sflag:s25], $0x80  }
0x58: {  	s9 =	simm.s32 @p1 $0x3;
	[sflag:s25] =	ssyncset.done $0x0  }
0x59: {  	s13 =	simm.s32 @!p1 $0x8;
	s16 =	smul.u32 $0x50, s9;
	[sflag:s25] =	ssyncadd.s32 $0xFFFFFF80  }
0x5a: {  	[spmem:s2] =	stream.indirect.scatter.add.f32 [tilespmem:s4], [sflag:$0x5], $0x80, s18, s26, $0xb8;
	[tilespmem:$0x1DA80] =	vst v63  }
0x5b: {  	s16 =	sadd.s32 s6, s16;
	_ =	swait.ge @!p1 [sflag:s13], $0x2800  }
0x5c: {  	s16 =	sshll.u32 s16, $0x4;
	[sflag:s13] =	ssyncset.done @!p1 $0x0  }
0x5d: {  	s9 =	sshll.u32 s9, $0x7;
	s16 =	sadd.s32 s1, s16;
	[sflag:s13] =	ssyncadd.s32 @!p1 $0xFFFFD800  }
0x5e: {  	[tilespmem:s29], [sflag:$0x4] =	stream.linear.gather [hbm4b:s16+s4], $0x2800, $0x38;
	[tilespmem:$0x1DA80] =	vst v63  }
0x5f: {  	s9 =	sand.u32 $0x380, s9;
	s16 =	sand.u32 $0x3C00, s15  }
0x60: {  	s9 =	sor.u32 s9, s16  }
0x61: {  	s9 =	sor.u32 s8, s9  }
0x62: {  	s9 =	sshrl.u32 s9, $0x3  }
0x63: {  	s9 =	sadd.s32 s5, s9  }
0x64: {  	[tilespmem:s30], [sflag:$0x4] =	stream.linear.gather [hbm4b:s9+s4], $0x80, $0x38;
	[tilespmem:$0x1DA80] =	vst v63  }
0x65: {  	_ =	swait.ge [sflag:s31], $0x2800  }
0x66: {  	[sflag:s31] =	ssyncset.done $0x0  }
0x67: {  	[sflag:s31] =	ssyncadd.s32 $0xFFFFD800  }
0x68: {  	_ =	swait.ge [sflag:s31], $0x80  }
0x69: {  	s9 =	sadd.s32 $0x200, s15;
	[sflag:s31] =	ssyncset.done $0x0  }
0x6a: {  	s16 =	sand.u32 $0x7C00, s9;
	[sflag:s31] =	ssyncadd.s32 $0xFFFFFF80  }
0x6b: {  	[spmem:s2] =	stream.indirect.scatter.add.f32 [tilespmem:s19], [sflag:$0x6], $0x80, s20, s26, $0xb8;
	[tilespmem:$0x1DA80] =	vst v63  }
0x6c: {  	s13 =	sadd.s32 s8, s16;
	s16 =	sand.u32 $0x200, s9;
	_ =	swait.ge [sflag:s0], $0x2800  }
0x6d: {  	s13 =	sor.u32 s16, s13;
	[sflag:s0] =	ssyncset.done $0x0  }
0x6e: {  	s13 =	sshrl.u32 s13, $0x3;
	[sflag:s0] =	ssyncadd.s32 $0xFFFFD800  }
0x6f: {  	[tilespmem:s4], [sflag:$0x1] =	stream.linear.gather [hbm4b:s17+s4], $0x2800, $0x38;
	[tilespmem:$0x1DA80] =	vst v63  }
0x70: {  	s13 =	sadd.s32 s5, s13  }
0x71: {  	[tilespmem:s18], [sflag:$0x1] =	stream.linear.gather [hbm4b:s13+s4], $0x80, $0x38;
	[tilespmem:$0x1DA80] =	vst v63  }
0x72: {  	_ =	swait.ge [sflag:s28], $0x2800  }
0x73: {  	[sflag:s28] =	ssyncset.done $0x0  }
0x74: {  	[sflag:s28] =	ssyncadd.s32 $0xFFFFD800  }
0x75: {  	_ =	swait.ge [sflag:s28], $0x80  }
0x76: {  	p1 =	seq.s32 s15, $0x3C00;
	[sflag:s28] =	ssyncset.done $0x0  }
.Ltmp2:
0x77: {  	[sflag:s28] =	ssyncadd.s32 $0xFFFFFF80;
	(pc) =	sbr.rel @p1 .LBB2_4-.Ltmp2, $4  }
0x78: {  	[spmem:s2] =	stream.indirect.scatter.add.f32 [tilespmem:s21], [sflag:$0x7], $0x80, s22, s26, $0xb8;
	[tilespmem:$0x1DA80] =	vst v63  }
0x79: {  	_ =	swait.ge [sflag:s3], $0x2800  }
0x7a: {  	[sflag:s3] =	ssyncset.done $0x0  }
0x7b: {  	[sflag:s3] =	ssyncadd.s32 $0xFFFFD800  }
0x7c: {  	s13 =	sadd.s32 $0x500, s17  }
0x7d: {  	[tilespmem:s19], [sflag:$0x2] =	stream.linear.gather [hbm4b:s13+s4], $0x2800, $0x38;
	[tilespmem:$0x1DA80] =	vst v63  }
0x7e: {  	s13 =	sadd.s32 $0x280, s15  }
0x7f: {  	s16 =	sand.u32 $0x7C00, s13  }
0x80: {  	s13 =	sand.u32 $0x280, s13;
	s16 =	sadd.s32 s8, s16  }
0x81: {  	s13 =	sor.u32 s13, s16  }
0x82: {  	s13 =	sshrl.u32 s13, $0x3  }
0x83: {  	s13 =	sadd.s32 s5, s13  }
0x84: {  	[tilespmem:s20], [sflag:$0x2] =	stream.linear.gather [hbm4b:s13+s4], $0x80, $0x38;
	[tilespmem:$0x1DA80] =	vst v63  }
0x85: {  	_ =	swait.ge [sflag:s7], $0x2800  }
0x86: {  	[sflag:s7] =	ssyncset.done $0x0  }
0x87: {  	[sflag:s7] =	ssyncadd.s32 $0xFFFFD800  }
0x88: {  	_ =	swait.ge [sflag:s7], $0x80  }
0x89: {  	[sflag:s7] =	ssyncset.done $0x0  }
0x8a: {  	[sflag:s7] =	ssyncadd.s32 $0xFFFFFF80  }
0x8b: {  	[spmem:s2] =	stream.indirect.scatter.add.f32 [tilespmem:s29], [sflag:$0x8], $0x80, s30, s26, $0xb8;
	[tilespmem:$0x1DA80] =	vst v63  }
0x8c: {  	_ =	swait.ge [sflag:s10], $0x2800  }
0x8d: {  	[sflag:s10] =	ssyncset.done $0x0  }
0x8e: {  	s16 =	sadd.s32 $0xA00, s17;
	[sflag:s10] =	ssyncadd.s32 $0xFFFFD800  }
0x8f: {  	[tilespmem:s21], [sflag:$0x3] =	stream.linear.gather [hbm4b:s16+s4], $0x2800, $0x38;
	[tilespmem:$0x1DA80] =	vst v63  }
0x90: {  	s16 =	sadd.s32 $0x300, s15  }
0x91: {  	s15 =	sand.u32 $0x7C00, s16  }
.Ltmp3:
0x92: {  	s13 =	sand.u32 $0x300, s16;
	s15 =	sadd.s32 s8, s15;
	(pc) =	sbr.rel .LBB2_2-.Ltmp3, $4  }
0x93: {  	s13 =	sor.u32 s13, s15  }
0x94: {  	s14 =	sadd.s32 $0x4, s14;
	s13 =	sshrl.u32 s13, $0x3  }
0x95: {  	s17 =	sadd.s32 $0x1400, s17;
	s15 =	smov.u32 s9;
	s13 =	sadd.s32 s5, s13  }
0x96: {  	[tilespmem:s22], [sflag:$0x3] =	stream.linear.gather [hbm4b:s13+s4], $0x80, $0x38;
	[tilespmem:$0x1DA80] =	vst v63  }
.LBB2_5:
0x97: {  	_ =	sfence.sel $0x180000  }
0x98: {  	[bflag:$0x0] =	sbarrier.arrive $0xFFFF  }
0x99: {  	_ =	strace $0x90000047  }
0x9a: {  	s0 =	stileid.u32;
	[bflag:$0x2] =	sbarrier.arrive $0xFFFF  }
0x9b: {  	p0 =	sne.s32 s0, $0x0;
	s0 =	rddreg [dreg:$0x4]  }
0x9c: {  	s0 =	sadd.s32 @!p0 $0x100000, s0  }
0x9d: {  	[sflag:s0] =	ssyncadd.tile.s32 @!p0 $0x1;
	_ =	shalt  }
.Lfunc_end2:
_tile_overlayer_lowered:
.L_overlay_start_2:
0x9e: {  	(tag) =	ssettag $0x2  }
0x9f: {  	s0 =	rddreg [dreg:$0x0];
	s2 =	stileid.u32  }
0xa0: {  	s1 =	rddreg [dreg:$0x1];
	p0 =	sne.s32 s2, $0x0  }
0xa1: {  	s3 =	rddreg [dreg:$0x2];
	[bflag:$0x3] =	sbarrier.arrive $0xFFFF;
	s2 =	simm.s32 @!p0 $0x1C09  }
0xa2: {  	[timem:s3], [sflag:s2] =	dma.local @!p0 [hbm:s0], s1  }
0xa3: {  	s0 =	simm.s32 @!p0 $0x9  }
0xa4: {  	_ =	swait.ge @!p0 [sflag:s0], s1  }
0xa5: {  	s1 =	ssub.s32 @!p0 $0x0, s1;
	[sflag:s0] =	ssyncset.done @!p0 $0x0  }
0xa6: {  	[sflag:s0] =	ssyncadd.s32 @!p0 s1  }
0xa7: {  	[bflag:$0x3] =	sbarrier.arrive $0xFFFF  }
0xa8: {  	_ =	shalt  }

</sc_bundles>
